<compile_context>
chip_gen: v7x
topology: tpu7x:2x2x1
jax: 0.10.2.dev20260603
libtpu: 0.0.44.dev20260713+nightly
codegen_flags: <defaults>
</compile_context>

<pallas_src>
import functools

import jax
import jax.numpy as jnp
from jax import lax
from jax.experimental import pallas as pl
from jax.experimental.pallas import tpu as pltpu
from jax.experimental.pallas import tpu_sc as plsc

T, D, E, F = 2048, 768, 8, 1536
K = 2
NP = T * K
B = 128
P = NP + E * B
NBLK = P // B
NW = 32
PPW = NP // NW
TPW = T // NW


def _erf(x):
    s = jnp.sign(x)
    a = jnp.abs(x)
    t = 1.0 / (1.0 + 0.3275911 * a)
    poly = t * (0.254829592 + t * (-0.284496736 + t * (1.421413741
              + t * (-1.453152027 + t * 1.061405429))))
    return s * (1.0 - poly * jnp.exp(-a * a))


def _gelu_exact(x):
    return 0.5 * x * (1.0 + _erf(x * 0.7071067811865476))



def _router_body(x_ref, rw_ref, rb_ref,
                 dest_ref, scale_ref, be_ref, bv_ref,
                 m_ref, r_ref):
    logits = jnp.dot(x_ref[...], rw_ref[...],
                     preferred_element_type=jnp.float32) + rb_ref[...]
    p = jax.nn.softmax(logits, axis=-1)
    e_iota = lax.broadcasted_iota(jnp.int32, p.shape, 1)
    m1 = jnp.max(p, axis=-1, keepdims=True)
    i1 = jnp.argmax(p, axis=-1)[:, None]
    p2 = jnp.where(e_iota == i1, -jnp.inf, p)
    m2 = jnp.max(p2, axis=-1, keepdims=True)
    i2 = jnp.argmax(p2, axis=-1)[:, None]
    w0 = 1.0 / (1.0 + jnp.exp(m2 - m1))
    scale_ref[pl.ds(0, T), :] = w0
    scale_ref[pl.ds(T, T), :] = 1.0 - w0

    m_ref[pl.ds(0, T), :] = (e_iota == i1).astype(jnp.float32)
    m_ref[pl.ds(T, T), :] = (e_iota == i2).astype(jnp.float32)

    c_iota = lax.broadcasted_iota(jnp.int32, (B, B), 1)
    r_iota = lax.broadcasted_iota(jnp.int32, (B, B), 0)
    tril_excl = (r_iota > c_iota).astype(jnp.float32)

    def chunk(c, running):
        mc = m_ref[pl.ds(c * B, B), :]
        r_ref[pl.ds(c * B, B), :] = running + jnp.dot(
            tril_excl, mc, preferred_element_type=jnp.float32)
        return running + jnp.sum(mc, axis=0, keepdims=True)

    counts = lax.fori_loop(0, NP // B, chunk, jnp.zeros((1, E), jnp.float32))

    ci = counts.astype(jnp.int32)
    pc = ((ci + B - 1) // B) * B
    e_r = lax.broadcasted_iota(jnp.int32, (E, E), 0)
    e_c = lax.broadcasted_iota(jnp.int32, (E, E), 1)
    triu_strict = (e_r < e_c).astype(jnp.float32)
    pcf = pc.astype(jnp.float32)
    poff = jnp.dot(pcf, triu_strict, preferred_element_type=jnp.float32)
    cum_incl = poff + pcf

    m = m_ref[...]
    dest = jnp.sum(m * (r_ref[...] + poff), axis=1, keepdims=True)
    dest_ref[...] = dest.astype(jnp.int32)

    bb = (lax.broadcasted_iota(jnp.int32, (NBLK, E), 0) * B).astype(jnp.float32)
    be = jnp.sum((bb >= cum_incl).astype(jnp.int32), axis=1, keepdims=True)
    be_ref[...] = jnp.minimum(be, E - 1)
    total = jnp.sum(pcf)
    bv_ref[...] = (bb[:, 0:1] < total).astype(jnp.int32)


def _router(x, router_w, rb):
    return pl.pallas_call(
        _router_body,
        in_specs=[
            pl.BlockSpec((T, D), lambda: (0, 0)),
            pl.BlockSpec((D, E), lambda: (0, 0)),
            pl.BlockSpec((1, E), lambda: (0, 0)),
        ],
        out_specs=[
            pl.BlockSpec((NP, 1), lambda: (0, 0)),
            pl.BlockSpec((NP, 1), lambda: (0, 0)),
            pl.BlockSpec((NBLK, 1), lambda: (0, 0)),
            pl.BlockSpec((NBLK, 1), lambda: (0, 0)),
        ],
        out_shape=[
            jax.ShapeDtypeStruct((NP, 1), jnp.int32),
            jax.ShapeDtypeStruct((NP, 1), jnp.float32),
            jax.ShapeDtypeStruct((NBLK, 1), jnp.int32),
            jax.ShapeDtypeStruct((NBLK, 1), jnp.int32),
        ],
        scratch_shapes=[
            pltpu.VMEM((NP, E), jnp.float32),
            pltpu.VMEM((NP, E), jnp.float32),
        ],
    )(x, router_w, rb)



@functools.cache
def _sc_mesh():
    return plsc.VectorSubcoreMesh(core_axis_name="c", subcore_axis_name="s")


@functools.cache
def _dispatch_kernel():
    @functools.partial(
        pl.kernel,
        out_type=(jax.ShapeDtypeStruct((P, D), jnp.float32),
                  jax.ShapeDtypeStruct((P,), jnp.float32)),
        mesh=_sc_mesh(),
        scratch_types=[
            pltpu.VMEM((PPW,), jnp.int32),
            pltpu.VMEM((PPW, D), jnp.float32),
            pltpu.VMEM((PPW,), jnp.float32),
            pltpu.SemaphoreType.DMA,
            pltpu.SemaphoreType.DMA,
        ],
    )
    def _dispatch(x_hbm, dest_hbm, scale_hbm, xg_hbm, ss_hbm,
                  dest_v, rows_v, scale_v, sem1, sem2):
        wid = lax.axis_index("s") * 2 + lax.axis_index("c")
        base = wid * PPW
        tok_base = lax.rem(base, T)
        pltpu.sync_copy(dest_hbm.at[pl.ds(base, PPW)], dest_v)
        pltpu.sync_copy(scale_hbm.at[pl.ds(base, PPW)], scale_v)
        pltpu.sync_copy(x_hbm.at[pl.ds(tok_base, PPW)], rows_v)
        cp1 = pltpu.async_copy(rows_v, xg_hbm.at[dest_v], sem1)
        cp2 = pltpu.async_copy(scale_v, ss_hbm.at[dest_v], sem2)
        cp1.wait()
        cp2.wait()

    return _dispatch



def _experts_body(be_ref, bv_ref, xg_ref, w1_ref, b1_ref, w2_ref, b2_ref,
                  ss_ref, yg_ref):
    b = pl.program_id(0)

    @pl.when(bv_ref[b] == 1)
    def _():
        h = jnp.dot(xg_ref[...], w1_ref[0],
                    preferred_element_type=jnp.float32) + b1_ref[0]
        h = _gelu_exact(h)
        y = jnp.dot(h, w2_ref[0], preferred_element_type=jnp.float32) + b2_ref[0]
        yg_ref[...] = y * ss_ref[...]


def _experts(be, bv, xg, w1, b1r, w2, b2r, ss2):
    grid_spec = pltpu.PrefetchScalarGridSpec(
        num_scalar_prefetch=2,
        grid=(NBLK,),
        in_specs=[
            pl.BlockSpec((B, D), lambda b, be, bv: (b, 0)),
            pl.BlockSpec((1, D, F), lambda b, be, bv: (be[b], 0, 0)),
            pl.BlockSpec((1, 1, F), lambda b, be, bv: (be[b], 0, 0)),
            pl.BlockSpec((1, F, D), lambda b, be, bv: (be[b], 0, 0)),
            pl.BlockSpec((1, 1, D), lambda b, be, bv: (be[b], 0, 0)),
            pl.BlockSpec((B, 1), lambda b, be, bv: (b, 0)),
        ],
        out_specs=pl.BlockSpec((B, D), lambda b, be, bv: (b, 0)),
        scratch_shapes=[],
    )
    return pl.pallas_call(
        _experts_body,
        grid_spec=grid_spec,
        out_shape=jax.ShapeDtypeStruct((P, D), jnp.float32),
    )(be, bv, xg, w1, b1r, w2, b2r, ss2)



@functools.cache
def _combine_kernel():
    @functools.partial(
        pl.kernel,
        out_type=jax.ShapeDtypeStruct((T, D), jnp.float32),
        mesh=_sc_mesh(),
        scratch_types=[
            pltpu.VMEM((TPW,), jnp.int32),
            pltpu.VMEM((TPW,), jnp.int32),
            pltpu.VMEM((TPW, D), jnp.float32),
            pltpu.VMEM((TPW, D), jnp.float32),
            pltpu.SemaphoreType.DMA,
            pltpu.SemaphoreType.DMA,
        ],
    )
    def _combine(yg_hbm, dest_hbm, out_hbm,
                 d0_v, d1_v, rows_a, rows_b, sem_a, sem_b):
        wid = lax.axis_index("s") * 2 + lax.axis_index("c")
        base = wid * TPW
        pltpu.sync_copy(dest_hbm.at[pl.ds(base, TPW)], d0_v)
        pltpu.sync_copy(dest_hbm.at[pl.ds(T + base, TPW)], d1_v)
        cp_a = pltpu.async_copy(yg_hbm.at[d0_v], rows_a, sem_a)
        cp_b = pltpu.async_copy(yg_hbm.at[d1_v], rows_b, sem_b)
        cp_a.wait()
        cp_b.wait()

        def row_add(r, carry):
            for cc in range(D // 16):
                sl = pl.ds(cc * 16, 16)
                rows_a[r, sl] = rows_a[r, sl] + rows_b[r, sl]
            return carry

        lax.fori_loop(0, TPW, row_add, 0)
        pltpu.sync_copy(rows_a, out_hbm.at[pl.ds(base, TPW)])

    return _combine



@jax.jit
def kernel(x, router_w, router_b, w1, b1, w2, b2):
    rb = router_b.reshape(1, E)
    b1r = b1.reshape(E, 1, F)
    b2r = b2.reshape(E, 1, D)
    dest2, scale2, be2, bv2 = _router(x, router_w, rb)
    dest = dest2.reshape(NP)
    scale = scale2.reshape(NP)
    be = be2.reshape(NBLK)
    bv = bv2.reshape(NBLK)
    xg, ss = _dispatch_kernel()(x, dest, scale)
    yg = _experts(be, bv, xg, w1, b1r, w2, b2r, ss.reshape(P, 1))
    return _combine_kernel()(yg, dest)

# --- scband reference (transcript-rebuilt; emitter-appended) ---
"""Pipeline reference for scband-mo-elayer-68264210202900 (READ-ONLY COPY).

The authoritative reference and input builder live on the scoring server;
editing this copy changes nothing except your own understanding.
"""

import jax, jax.numpy as jnp
import numpy as np

TOP_K = 2

def setup_inputs(seed: int = 0) -> dict:
    key = jax.random.key(seed)
    ks = jax.random.split(key, 8)
    T, D, E, F = 2048, 768, 8, 1536
    x = jax.random.normal(ks[0], (T, D), dtype=jnp.float32)
    router_w = jax.random.normal(ks[1], (D, E), dtype=jnp.float32) * 0.02
    router_b = jnp.zeros((E,), dtype=jnp.float32)
    w1 = jax.random.normal(ks[2], (E, D, F), dtype=jnp.float32) * 0.02
    b1 = jnp.zeros((E, F), dtype=jnp.float32)
    w2 = jax.random.normal(ks[3], (E, F, D), dtype=jnp.float32) * 0.02
    b2 = jnp.zeros((E, D), dtype=jnp.float32)
    return {"x": x, "router_w": router_w, "router_b": router_b,
            "w1": w1, "b1": b1, "w2": w2, "b2": b2}

def reference(x, router_w, router_b, w1, b1, w2, b2):
    # router: softmax(Linear(x))
    logits = x @ router_w + router_b
    routing_weights = jax.nn.softmax(logits, axis=-1)
    top_k_weights, top_k_indices = jax.lax.top_k(routing_weights, TOP_K)
    top_k_weights = jax.nn.softmax(top_k_weights, axis=-1)
    final_output = jnp.zeros_like(x)
    E = w1.shape[0]
    for i in range(TOP_K):
        expert_indices = top_k_indices[:, i]
        expert_weights = top_k_weights[:, i]
        for j in range(E):
            mask = (expert_indices == j)
            h = jax.nn.gelu(x @ w1[j] + b1[j], approximate=False)
            expert_output = h @ w2[j] + b2[j]
            contribution = expert_output * expert_weights[:, None]
            final_output = final_output + jnp.where(mask[:, None], contribution,
                                                    jnp.zeros_like(contribution))
    return final_output

if __name__ == "__main__":
    import jax
    _d = setup_inputs()
    print(jax.jit(kernel)(*tuple(_d.values())))

</pallas_src>

<mosaic_0001>
#map = affine_map<(d0, d1) -> (0, 0)>
#map1 = affine_map<(d0, d1) -> (0)>
module attributes {stable_mosaic.version = 14 : i64} {
  func.func @_combine(%arg0: i32, %arg1: i32, %arg2: memref<5120x768xf32, #tpu.memory_space<hbm>>, %arg3: memref<4096xi32, #tpu.memory_space<hbm>>, %arg4: memref<2048x768xf32, #tpu.memory_space<hbm>>, %arg5: memref<64xi32, #tpu.memory_space<vmem>>, %arg6: memref<64xi32, #tpu.memory_space<vmem>>, %arg7: memref<64x768xf32, #tpu.memory_space<vmem>>, %arg8: memref<64x768xf32, #tpu.memory_space<vmem>>, %arg9: memref<!tpu.dma_semaphore, #tpu.memory_space<semaphore_mem>>, %arg10: memref<!tpu.dma_semaphore, #tpu.memory_space<semaphore_mem>>) attributes {dimension_semantics = [#tpu.dimension_semantics<core_parallel>, #tpu.dimension_semantics<subcore_parallel>], iteration_bounds = array<i64: 2, 16>, scalar_prefetch = 0 : i64, scratch_operands = 6 : i64, tpu.core_type = #tpu.core_type<sc_vector_subcore>, window_params = [{transform_indices = #map}, {transform_indices = #map1}, {transform_indices = #map}]} {
    %mul3A = arith.constant 2 : i32
    %mul3A_0 = arith.muli %arg1, %mul3A : i32
    %add3A = arith.addi %mul3A_0, %arg0 : i32
    %mul3A_1 = arith.constant 64 : i32
    %mul3A_2 = arith.muli %add3A, %mul3A_1 : i32
    "tpu.region"() ({
      %run_scoped3A = tpu.sem_alloc : memref<!tpu.dma_semaphore, #tpu.memory_space<semaphore_mem>>
      %dma_start3A_20 = tpu.memref_slice %arg3[%mul3A_2] : memref<4096xi32, #tpu.memory_space<hbm>> -> memref<64xi32, #tpu.memory_space<hbm>>
      %dma_start3A_21 = tpu.memref_slice %arg3[%mul3A_2] : memref<4096xi32, #tpu.memory_space<hbm>> -> memref<64xi32, #tpu.memory_space<hbm>>
      tpu.enqueue_dma source(%dma_start3A_21 : memref<64xi32, #tpu.memory_space<hbm>>) target(%arg5 : memref<64xi32, #tpu.memory_space<vmem>>) target_semaphore(%run_scoped3A : memref<!tpu.dma_semaphore, #tpu.memory_space<semaphore_mem>>)
      %dma_wait3A_22 = tpu.memref_slice %arg3[%mul3A_2] : memref<4096xi32, #tpu.memory_space<hbm>> -> memref<64xi32, #tpu.memory_space<hbm>>
      %dma_wait3A_23 = tpu.memref_slice %arg3[%mul3A_2] : memref<4096xi32, #tpu.memory_space<hbm>> -> memref<64xi32, #tpu.memory_space<hbm>>
      tpu.wait_dma2 semaphore(%run_scoped3A : memref<!tpu.dma_semaphore, #tpu.memory_space<semaphore_mem>>) src(%dma_wait3A_23 : memref<64xi32, #tpu.memory_space<hbm>>) dst(%arg5 : memref<64xi32, #tpu.memory_space<vmem>>)
      tpu.yield
    }) : () -> ()
    %add3A_3 = arith.constant 2048 : i32
    %add3A_4 = arith.addi %add3A_3, %mul3A_2 : i32
    "tpu.region"() ({
      %run_scoped3A = tpu.sem_alloc : memref<!tpu.dma_semaphore, #tpu.memory_space<semaphore_mem>>
      %dma_start3A_20 = tpu.memref_slice %arg3[%add3A_4] : memref<4096xi32, #tpu.memory_space<hbm>> -> memref<64xi32, #tpu.memory_space<hbm>>
      %dma_start3A_21 = tpu.memref_slice %arg3[%add3A_4] : memref<4096xi32, #tpu.memory_space<hbm>> -> memref<64xi32, #tpu.memory_space<hbm>>
      tpu.enqueue_dma source(%dma_start3A_21 : memref<64xi32, #tpu.memory_space<hbm>>) target(%arg6 : memref<64xi32, #tpu.memory_space<vmem>>) target_semaphore(%run_scoped3A : memref<!tpu.dma_semaphore, #tpu.memory_space<semaphore_mem>>)
      %dma_wait3A_22 = tpu.memref_slice %arg3[%add3A_4] : memref<4096xi32, #tpu.memory_space<hbm>> -> memref<64xi32, #tpu.memory_space<hbm>>
      %dma_wait3A_23 = tpu.memref_slice %arg3[%add3A_4] : memref<4096xi32, #tpu.memory_space<hbm>> -> memref<64xi32, #tpu.memory_space<hbm>>
      tpu.wait_dma2 semaphore(%run_scoped3A : memref<!tpu.dma_semaphore, #tpu.memory_space<semaphore_mem>>) src(%dma_wait3A_23 : memref<64xi32, #tpu.memory_space<hbm>>) dst(%arg6 : memref<64xi32, #tpu.memory_space<vmem>>)
      tpu.yield
    }) : () -> ()
    %dma_start3A = arith.constant 0 : i32
    %dma_start3A_5 = arith.constant 0 : i32
    %dma_start3A_6 = tpu.memref_slice %arg2[%dma_start3A, %dma_start3A_5] : memref<5120x768xf32, #tpu.memory_space<hbm>> -> memref<5120x768xf32, #tpu.memory_space<hbm>>
    tpu.enqueue_indirect_dma source(%dma_start3A_6 : memref<5120x768xf32, #tpu.memory_space<hbm>>) target(%arg7 : memref<64x768xf32, #tpu.memory_space<vmem>>) offsets(%arg5 : memref<64xi32, #tpu.memory_space<vmem>>) semaphore(%arg9 : memref<!tpu.dma_semaphore, #tpu.memory_space<semaphore_mem>>)
    %dma_start3A_7 = arith.constant 0 : i32
    %dma_start3A_8 = arith.constant 0 : i32
    %dma_start3A_9 = tpu.memref_slice %arg2[%dma_start3A_7, %dma_start3A_8] : memref<5120x768xf32, #tpu.memory_space<hbm>> -> memref<5120x768xf32, #tpu.memory_space<hbm>>
    tpu.enqueue_indirect_dma source(%dma_start3A_9 : memref<5120x768xf32, #tpu.memory_space<hbm>>) target(%arg8 : memref<64x768xf32, #tpu.memory_space<vmem>>) offsets(%arg6 : memref<64xi32, #tpu.memory_space<vmem>>) semaphore(%arg10 : memref<!tpu.dma_semaphore, #tpu.memory_space<semaphore_mem>>)
    %dma_wait3A = arith.constant 0 : i32
    %dma_wait3A_10 = arith.constant 0 : i32
    %dma_wait3A_11 = tpu.memref_slice %arg2[%dma_wait3A, %dma_wait3A_10] : memref<5120x768xf32, #tpu.memory_space<hbm>> -> memref<5120x768xf32, #tpu.memory_space<hbm>>
    tpu.wait_indirect_dma semaphore(%arg9 : memref<!tpu.dma_semaphore, #tpu.memory_space<semaphore_mem>>) src(%dma_wait3A_11 : memref<5120x768xf32, #tpu.memory_space<hbm>>) dst(%arg7 : memref<64x768xf32, #tpu.memory_space<vmem>>)
    %dma_wait3A_12 = arith.constant 0 : i32
    %dma_wait3A_13 = arith.constant 0 : i32
    %dma_wait3A_14 = tpu.memref_slice %arg2[%dma_wait3A_12, %dma_wait3A_13] : memref<5120x768xf32, #tpu.memory_space<hbm>> -> memref<5120x768xf32, #tpu.memory_space<hbm>>
    tpu.wait_indirect_dma semaphore(%arg10 : memref<!tpu.dma_semaphore, #tpu.memory_space<semaphore_mem>>) src(%dma_wait3A_14 : memref<5120x768xf32, #tpu.memory_space<hbm>>) dst(%arg8 : memref<64x768xf32, #tpu.memory_space<vmem>>)
    %scan3A = arith.constant 0 : i32
    %scan3A_15 = arith.constant 0 : i32
    %scan3A_16 = arith.constant 64 : i32
    %scan3A_17 = arith.addi %scan3A_15, %scan3A_16 : i32
    %scan3A_18 = arith.constant 1 : i32
    scf.for %scan3A_20 = %scan3A_15 to %scan3A_17 step %scan3A_18  : i32 {
      %get3A = arith.index_cast %scan3A_20 : i32 to index
      %get3A_21 = arith.constant 0 : index
      %get3A_22 = tpu.vector_load %arg7[%get3A, %get3A_21] {strides = array<i32>} : memref<64x768xf32, #tpu.memory_space<vmem>>, vector<1x16xf32>,
      %get3A_23 = vector.shape_cast %get3A_22 : vector<1x16xf32> to vector<16xf32>
      %get3A_24 = arith.index_cast %scan3A_20 : i32 to index
      %get3A_25 = arith.constant 0 : index
      %get3A_26 = tpu.vector_load %arg8[%get3A_24, %get3A_25] {strides = array<i32>} : memref<64x768xf32, #tpu.memory_space<vmem>>, vector<1x16xf32>,
      %get3A_27 = vector.shape_cast %get3A_26 : vector<1x16xf32> to vector<16xf32>
      %add3A_28 = arith.addf %get3A_23, %get3A_27 : vector<16xf32>
      %swap3A = arith.index_cast %scan3A_20 : i32 to index
      %swap3A_29 = arith.constant 0 : index
      %swap3A_30 = tpu.vector_load %arg7[%swap3A, %swap3A_29] {strides = array<i32>} : memref<64x768xf32, #tpu.memory_space<vmem>>, vector<1x16xf32>,
      %swap3A_31 = vector.shape_cast %swap3A_30 : vector<1x16xf32> to vector<16xf32>
      %swap3A_32 = vector.shape_cast %add3A_28 : vector<16xf32> to vector<1x16xf32>
      tpu.vector_store %arg7[%swap3A, %swap3A_29], %swap3A_32 {strides = array<i32>} : memref<64x768xf32, #tpu.memory_space<vmem>>, vector<1x16xf32>,
      %get3A_33 = arith.index_cast %scan3A_20 : i32 to index
      %get3A_34 = arith.constant 16 : index
      %get3A_35 = tpu.vector_load %arg7[%get3A_33, %get3A_34] {strides = array<i32>} : memref<64x768xf32, #tpu.memory_space<vmem>>, vector<1x16xf32>,
      %get3A_36 = vector.shape_cast %get3A_35 : vector<1x16xf32> to vector<16xf32>
      %get3A_37 = arith.index_cast %scan3A_20 : i32 to index
      %get3A_38 = arith.constant 16 : index
      %get3A_39 = tpu.vector_load %arg8[%get3A_37, %get3A_38] {strides = array<i32>} : memref<64x768xf32, #tpu.memory_space<vmem>>, vector<1x16xf32>,
      %get3A_40 = vector.shape_cast %get3A_39 : vector<1x16xf32> to vector<16xf32>
      %add3A_41 = arith.addf %get3A_36, %get3A_40 : vector<16xf32>
      %swap3A_42 = arith.index_cast %scan3A_20 : i32 to index
      %swap3A_43 = arith.constant 16 : index
      %swap3A_44 = tpu.vector_load %arg7[%swap3A_42, %swap3A_43] {strides = array<i32>} : memref<64x768xf32, #tpu.memory_space<vmem>>, vector<1x16xf32>,
      %swap3A_45 = vector.shape_cast %swap3A_44 : vector<1x16xf32> to vector<16xf32>
      %swap3A_46 = vector.shape_cast %add3A_41 : vector<16xf32> to vector<1x16xf32>
      tpu.vector_store %arg7[%swap3A_42, %swap3A_43], %swap3A_46 {strides = array<i32>} : memref<64x768xf32, #tpu.memory_space<vmem>>, vector<1x16xf32>,
      %get3A_47 = arith.index_cast %scan3A_20 : i32 to index
      %get3A_48 = arith.constant 32 : index
      %get3A_49 = tpu.vector_load %arg7[%get3A_47, %get3A_48] {strides = array<i32>} : memref<64x768xf32, #tpu.memory_space<vmem>>, vector<1x16xf32>,
      %get3A_50 = vector.shape_cast %get3A_49 : vector<1x16xf32> to vector<16xf32>
      %get3A_51 = arith.index_cast %scan3A_20 : i32 to index
      %get3A_52 = arith.constant 32 : index
      %get3A_53 = tpu.vector_load %arg8[%get3A_51, %get3A_52] {strides = array<i32>} : memref<64x768xf32, #tpu.memory_space<vmem>>, vector<1x16xf32>,
      %get3A_54 = vector.shape_cast %get3A_53 : vector<1x16xf32> to vector<16xf32>
      %add3A_55 = arith.addf %get3A_50, %get3A_54 : vector<16xf32>
      %swap3A_56 = arith.index_cast %scan3A_20 : i32 to index
      %swap3A_57 = arith.constant 32 : index
      %swap3A_58 = tpu.vector_load %arg7[%swap3A_56, %swap3A_57] {strides = array<i32>} : memref<64x768xf32, #tpu.memory_space<vmem>>, vector<1x16xf32>,
      %swap3A_59 = vector.shape_cast %swap3A_58 : vector<1x16xf32> to vector<16xf32>
      %swap3A_60 = vector.shape_cast %add3A_55 : vector<16xf32> to vector<1x16xf32>
      tpu.vector_store %arg7[%swap3A_56, %swap3A_57], %swap3A_60 {strides = array<i32>} : memref<64x768xf32, #tpu.memory_space<vmem>>, vector<1x16xf32>,
      %get3A_61 = arith.index_cast %scan3A_20 : i32 to index
      %get3A_62 = arith.constant 48 : index
      %get3A_63 = tpu.vector_load %arg7[%get3A_61, %get3A_62] {strides = array<i32>} : memref<64x768xf32, #tpu.memory_space<vmem>>, vector<1x16xf32>,
      %get3A_64 = vector.shape_cast %get3A_63 : vector<1x16xf32> to vector<16xf32>
      %get3A_65 = arith.index_cast %scan3A_20 : i32 to index
      %get3A_66 = arith.constant 48 : index
      %get3A_67 = tpu.vector_load %arg8[%get3A_65, %get3A_66] {strides = array<i32>} : memref<64x768xf32, #tpu.memory_space<vmem>>, vector<1x16xf32>,
      %get3A_68 = vector.shape_cast %get3A_67 : vector<1x16xf32> to vector<16xf32>
      %add3A_69 = arith.addf %get3A_64, %get3A_68 : vector<16xf32>
      %swap3A_70 = arith.index_cast %scan3A_20 : i32 to index
      %swap3A_71 = arith.constant 48 : index
      %swap3A_72 = tpu.vector_load %arg7[%swap3A_70, %swap3A_71] {strides = array<i32>} : memref<64x768xf32, #tpu.memory_space<vmem>>, vector<1x16xf32>,
      %swap3A_73 = vector.shape_cast %swap3A_72 : vector<1x16xf32> to vector<16xf32>
      %swap3A_74 = vector.shape_cast %add3A_69 : vector<16xf32> to vector<1x16xf32>
      tpu.vector_store %arg7[%swap3A_70, %swap3A_71], %swap3A_74 {strides = array<i32>} : memref<64x768xf32, #tpu.memory_space<vmem>>, vector<1x16xf32>,
      %get3A_75 = arith.index_cast %scan3A_20 : i32 to index
      %get3A_76 = arith.constant 64 : index
      %get3A_77 = tpu.vector_load %arg7[%get3A_75, %get3A_76] {strides = array<i32>} : memref<64x768xf32, #tpu.memory_space<vmem>>, vector<1x16xf32>,
      %get3A_78 = vector.shape_cast %get3A_77 : vector<1x16xf32> to vector<16xf32>
      %get3A_79 = arith.index_cast %scan3A_20 : i32 to index
      %get3A_80 = arith.constant 64 : index
      %get3A_81 = tpu.vector_load %arg8[%get3A_79, %get3A_80] {strides = array<i32>} : memref<64x768xf32, #tpu.memory_space<vmem>>, vector<1x16xf32>,
      %get3A_82 = vector.shape_cast %get3A_81 : vector<1x16xf32> to vector<16xf32>
      %add3A_83 = arith.addf %get3A_78, %get3A_82 : vector<16xf32>
      %swap3A_84 = arith.index_cast %scan3A_20 : i32 to index
      %swap3A_85 = arith.constant 64 : index
      %swap3A_86 = tpu.vector_load %arg7[%swap3A_84, %swap3A_85] {strides = array<i32>} : memref<64x768xf32, #tpu.memory_space<vmem>>, vector<1x16xf32>,
      %swap3A_87 = vector.shape_cast %swap3A_86 : vector<1x16xf32> to vector<16xf32>
      %swap3A_88 = vector.shape_cast %add3A_83 : vector<16xf32> to vector<1x16xf32>
      tpu.vector_store %arg7[%swap3A_84, %swap3A_85], %swap3A_88 {strides = array<i32>} : memref<64x768xf32, #tpu.memory_space<vmem>>, vector<1x16xf32>,
      %get3A_89 = arith.index_cast %scan3A_20 : i32 to index
      %get3A_90 = arith.constant 80 : index
      %get3A_91 = tpu.vector_load %arg7[%get3A_89, %get3A_90] {strides = array<i32>} : memref<64x768xf32, #tpu.memory_space<vmem>>, vector<1x16xf32>,
      %get3A_92 = vector.shape_cast %get3A_91 : vector<1x16xf32> to vector<16xf32>
      %get3A_93 = arith.index_cast %scan3A_20 : i32 to index
      %get3A_94 = arith.constant 80 : index
      %get3A_95 = tpu.vector_load %arg8[%get3A_93, %get3A_94] {strides = array<i32>} : memref<64x768xf32, #tpu.memory_space<vmem>>, vector<1x16xf32>,
      %get3A_96 = vector.shape_cast %get3A_95 : vector<1x16xf32> to vector<16xf32>
      %add3A_97 = arith.addf %get3A_92, %get3A_96 : vector<16xf32>
      %swap3A_98 = arith.index_cast %scan3A_20 : i32 to index
      %swap3A_99 = arith.constant 80 : index
      %swap3A_100 = tpu.vector_load %arg7[%swap3A_98, %swap3A_99] {strides = array<i32>} : memref<64x768xf32, #tpu.memory_space<vmem>>, vector<1x16xf32>,
      %swap3A_101 = vector.shape_cast %swap3A_100 : vector<1x16xf32> to vector<16xf32>
      %swap3A_102 = vector.shape_cast %add3A_97 : vector<16xf32> to vector<1x16xf32>
      tpu.vector_store %arg7[%swap3A_98, %swap3A_99], %swap3A_102 {strides = array<i32>} : memref<64x768xf32, #tpu.memory_space<vmem>>, vector<1x16xf32>,
      %get3A_103 = arith.index_cast %scan3A_20 : i32 to index
      %get3A_104 = arith.constant 96 : index
      %get3A_105 = tpu.vector_load %arg7[%get3A_103, %get3A_104] {strides = array<i32>} : memref<64x768xf32, #tpu.memory_space<vmem>>, vector<1x16xf32>,
      %get3A_106 = vector.shape_cast %get3A_105 : vector<1x16xf32> to vector<16xf32>
      %get3A_107 = arith.index_cast %scan3A_20 : i32 to index
      %get3A_108 = arith.constant 96 : index
      %get3A_109 = tpu.vector_load %arg8[%get3A_107, %get3A_108] {strides = array<i32>} : memref<64x768xf32, #tpu.memory_space<vmem>>, vector<1x16xf32>,
      %get3A_110 = vector.shape_cast %get3A_109 : vector<1x16xf32> to vector<16xf32>
      %add3A_111 = arith.addf %get3A_106, %get3A_110 : vector<16xf32>
      %swap3A_112 = arith.index_cast %scan3A_20 : i32 to index
      %swap3A_113 = arith.constant 96 : index
      %swap3A_114 = tpu.vector_load %arg7[%swap3A_112, %swap3A_113] {strides = array<i32>} : memref<64x768xf32, #tpu.memory_space<vmem>>, vector<1x16xf32>,
      %swap3A_115 = vector.shape_cast %swap3A_114 : vector<1x16xf32> to vector<16xf32>
      %swap3A_116 = vector.shape_cast %add3A_111 : vector<16xf32> to vector<1x16xf32>
      tpu.vector_store %arg7[%swap3A_112, %swap3A_113], %swap3A_116 {strides = array<i32>} : memref<64x768xf32, #tpu.memory_space<vmem>>, vector<1x16xf32>,
      %get3A_117 = arith.index_cast %scan3A_20 : i32 to index
      %get3A_118 = arith.constant 112 : index
      %get3A_119 = tpu.vector_load %arg7[%get3A_117, %get3A_118] {strides = array<i32>} : memref<64x768xf32, #tpu.memory_space<vmem>>, vector<1x16xf32>,
      %get3A_120 = vector.shape_cast %get3A_119 : vector<1x16xf32> to vector<16xf32>
      %get3A_121 = arith.index_cast %scan3A_20 : i32 to index
      %get3A_122 = arith.constant 112 : index
      %get3A_123 = tpu.vector_load %arg8[%get3A_121, %get3A_122] {strides = array<i32>} : memref<64x768xf32, #tpu.memory_space<vmem>>, vector<1x16xf32>,
      %get3A_124 = vector.shape_cast %get3A_123 : vector<1x16xf32> to vector<16xf32>
      %add3A_125 = arith.addf %get3A_120, %get3A_124 : vector<16xf32>
      %swap3A_126 = arith.index_cast %scan3A_20 : i32 to index
      %swap3A_127 = arith.constant 112 : index
      %swap3A_128 = tpu.vector_load %arg7[%swap3A_126, %swap3A_127] {strides = array<i32>} : memref<64x768xf32, #tpu.memory_space<vmem>>, vector<1x16xf32>,
      %swap3A_129 = vector.shape_cast %swap3A_128 : vector<1x16xf32> to vector<16xf32>
      %swap3A_130 = vector.shape_cast %add3A_125 : vector<16xf32> to vector<1x16xf32>
      tpu.vector_store %arg7[%swap3A_126, %swap3A_127], %swap3A_130 {strides = array<i32>} : memref<64x768xf32, #tpu.memory_space<vmem>>, vector<1x16xf32>,
      %get3A_131 = arith.index_cast %scan3A_20 : i32 to index
      %get3A_132 = arith.constant 128 : index
      %get3A_133 = tpu.vector_load %arg7[%get3A_131, %get3A_132] {strides = array<i32>} : memref<64x768xf32, #tpu.memory_space<vmem>>, vector<1x16xf32>,
      %get3A_134 = vector.shape_cast %get3A_133 : vector<1x16xf32> to vector<16xf32>
      %get3A_135 = arith.index_cast %scan3A_20 : i32 to index
      %get3A_136 = arith.constant 128 : index
      %get3A_137 = tpu.vector_load %arg8[%get3A_135, %get3A_136] {strides = array<i32>} : memref<64x768xf32, #tpu.memory_space<vmem>>, vector<1x16xf32>,
      %get3A_138 = vector.shape_cast %get3A_137 : vector<1x16xf32> to vector<16xf32>
      %add3A_139 = arith.addf %get3A_134, %get3A_138 : vector<16xf32>
      %swap3A_140 = arith.index_cast %scan3A_20 : i32 to index
      %swap3A_141 = arith.constant 128 : index
      %swap3A_142 = tpu.vector_load %arg7[%swap3A_140, %swap3A_141] {strides = array<i32>} : memref<64x768xf32, #tpu.memory_space<vmem>>, vector<1x16xf32>,
      %swap3A_143 = vector.shape_cast %swap3A_142 : vector<1x16xf32> to vector<16xf32>
      %swap3A_144 = vector.shape_cast %add3A_139 : vector<16xf32> to vector<1x16xf32>
      tpu.vector_store %arg7[%swap3A_140, %swap3A_141], %swap3A_144 {strides = array<i32>} : memref<64x768xf32, #tpu.memory_space<vmem>>, vector<1x16xf32>,
      %get3A_145 = arith.index_cast %scan3A_20 : i32 to index
      %get3A_146 = arith.constant 144 : index
      %get3A_147 = tpu.vector_load %arg7[%get3A_145, %get3A_146] {strides = array<i32>} : memref<64x768xf32, #tpu.memory_space<vmem>>, vector<1x16xf32>,
      %get3A_148 = vector.shape_cast %get3A_147 : vector<1x16xf32> to vector<16xf32>
      %get3A_149 = arith.index_cast %scan3A_20 : i32 to index
      %get3A_150 = arith.constant 144 : index
      %get3A_151 = tpu.vector_load %arg8[%get3A_149, %get3A_150] {strides = array<i32>} : memref<64x768xf32, #tpu.memory_space<vmem>>, vector<1x16xf32>,
      %get3A_152 = vector.shape_cast %get3A_151 : vector<1x16xf32> to vector<16xf32>
      %add3A_153 = arith.addf %get3A_148, %get3A_152 : vector<16xf32>
      %swap3A_154 = arith.index_cast %scan3A_20 : i32 to index
      %swap3A_155 = arith.constant 144 : index
      %swap3A_156 = tpu.vector_load %arg7[%swap3A_154, %swap3A_155] {strides = array<i32>} : memref<64x768xf32, #tpu.memory_space<vmem>>, vector<1x16xf32>,
      %swap3A_157 = vector.shape_cast %swap3A_156 : vector<1x16xf32> to vector<16xf32>
      %swap3A_158 = vector.shape_cast %add3A_153 : vector<16xf32> to vector<1x16xf32>
      tpu.vector_store %arg7[%swap3A_154, %swap3A_155], %swap3A_158 {strides = array<i32>} : memref<64x768xf32, #tpu.memory_space<vmem>>, vector<1x16xf32>,
      %get3A_159 = arith.index_cast %scan3A_20 : i32 to index
      %get3A_160 = arith.constant 160 : index
      %get3A_161 = tpu.vector_load %arg7[%get3A_159, %get3A_160] {strides = array<i32>} : memref<64x768xf32, #tpu.memory_space<vmem>>, vector<1x16xf32>,
      %get3A_162 = vector.shape_cast %get3A_161 : vector<1x16xf32> to vector<16xf32>
      %get3A_163 = arith.index_cast %scan3A_20 : i32 to index
      %get3A_164 = arith.constant 160 : index
      %get3A_165 = tpu.vector_load %arg8[%get3A_163, %get3A_164] {strides = array<i32>} : memref<64x768xf32, #tpu.memory_space<vmem>>, vector<1x16xf32>,
      %get3A_166 = vector.shape_cast %get3A_165 : vector<1x16xf32> to vector<16xf32>
      %add3A_167 = arith.addf %get3A_162, %get3A_166 : vector<16xf32>
      %swap3A_168 = arith.index_cast %scan3A_20 : i32 to index
      %swap3A_169 = arith.constant 160 : index
      %swap3A_170 = tpu.vector_load %arg7[%swap3A_168, %swap3A_169] {strides = array<i32>} : memref<64x768xf32, #tpu.memory_space<vmem>>, vector<1x16xf32>,
      %swap3A_171 = vector.shape_cast %swap3A_170 : vector<1x16xf32> to vector<16xf32>
      %swap3A_172 = vector.shape_cast %add3A_167 : vector<16xf32> to vector<1x16xf32>
      tpu.vector_store %arg7[%swap3A_168, %swap3A_169], %swap3A_172 {strides = array<i32>} : memref<64x768xf32, #tpu.memory_space<vmem>>, vector<1x16xf32>,
      %get3A_173 = arith.index_cast %scan3A_20 : i32 to index
      %get3A_174 = arith.constant 176 : index
      %get3A_175 = tpu.vector_load %arg7[%get3A_173, %get3A_174] {strides = array<i32>} : memref<64x768xf32, #tpu.memory_space<vmem>>, vector<1x16xf32>,
      %get3A_176 = vector.shape_cast %get3A_175 : vector<1x16xf32> to vector<16xf32>
      %get3A_177 = arith.index_cast %scan3A_20 : i32 to index
      %get3A_178 = arith.constant 176 : index
      %get3A_179 = tpu.vector_load %arg8[%get3A_177, %get3A_178] {strides = array<i32>} : memref<64x768xf32, #tpu.memory_space<vmem>>, vector<1x16xf32>,
      %get3A_180 = vector.shape_cast %get3A_179 : vector<1x16xf32> to vector<16xf32>
      %add3A_181 = arith.addf %get3A_176, %get3A_180 : vector<16xf32>
      %swap3A_182 = arith.index_cast %scan3A_20 : i32 to index
      %swap3A_183 = arith.constant 176 : index
      %swap3A_184 = tpu.vector_load %arg7[%swap3A_182, %swap3A_183] {strides = array<i32>} : memref<64x768xf32, #tpu.memory_space<vmem>>, vector<1x16xf32>,
      %swap3A_185 = vector.shape_cast %swap3A_184 : vector<1x16xf32> to vector<16xf32>
      %swap3A_186 = vector.shape_cast %add3A_181 : vector<16xf32> to vector<1x16xf32>
      tpu.vector_store %arg7[%swap3A_182, %swap3A_183], %swap3A_186 {strides = array<i32>} : memref<64x768xf32, #tpu.memory_space<vmem>>, vector<1x16xf32>,
      %get3A_187 = arith.index_cast %scan3A_20 : i32 to index
      %get3A_188 = arith.constant 192 : index
      %get3A_189 = tpu.vector_load %arg7[%get3A_187, %get3A_188] {strides = array<i32>} : memref<64x768xf32, #tpu.memory_space<vmem>>, vector<1x16xf32>,
      %get3A_190 = vector.shape_cast %get3A_189 : vector<1x16xf32> to vector<16xf32>
      %get3A_191 = arith.index_cast %scan3A_20 : i32 to index
      %get3A_192 = arith.constant 192 : index
      %get3A_193 = tpu.vector_load %arg8[%get3A_191, %get3A_192] {strides = array<i32>} : memref<64x768xf32, #tpu.memory_space<vmem>>, vector<1x16xf32>,
      %get3A_194 = vector.shape_cast %get3A_193 : vector<1x16xf32> to vector<16xf32>
      %add3A_195 = arith.addf %get3A_190, %get3A_194 : vector<16xf32>
      %swap3A_196 = arith.index_cast %scan3A_20 : i32 to index
      %swap3A_197 = arith.constant 192 : index
      %swap3A_198 = tpu.vector_load %arg7[%swap3A_196, %swap3A_197] {strides = array<i32>} : memref<64x768xf32, #tpu.memory_space<vmem>>, vector<1x16xf32>,
      %swap3A_199 = vector.shape_cast %swap3A_198 : vector<1x16xf32> to vector<16xf32>
      %swap3A_200 = vector.shape_cast %add3A_195 : vector<16xf32> to vector<1x16xf32>
      tpu.vector_store %arg7[%swap3A_196, %swap3A_197], %swap3A_200 {strides = array<i32>} : memref<64x768xf32, #tpu.memory_space<vmem>>, vector<1x16xf32>,
      %get3A_201 = arith.index_cast %scan3A_20 : i32 to index
      %get3A_202 = arith.constant 208 : index
      %get3A_203 = tpu.vector_load %arg7[%get3A_201, %get3A_202] {strides = array<i32>} : memref<64x768xf32, #tpu.memory_space<vmem>>, vector<1x16xf32>,
      %get3A_204 = vector.shape_cast %get3A_203 : vector<1x16xf32> to vector<16xf32>
      %get3A_205 = arith.index_cast %scan3A_20 : i32 to index
      %get3A_206 = arith.constant 208 : index
      %get3A_207 = tpu.vector_load %arg8[%get3A_205, %get3A_206] {strides = array<i32>} : memref<64x768xf32, #tpu.memory_space<vmem>>, vector<1x16xf32>,
      %get3A_208 = vector.shape_cast %get3A_207 : vector<1x16xf32> to vector<16xf32>
      %add3A_209 = arith.addf %get3A_204, %get3A_208 : vector<16xf32>
      %swap3A_210 = arith.index_cast %scan3A_20 : i32 to index
      %swap3A_211 = arith.constant 208 : index
      %swap3A_212 = tpu.vector_load %arg7[%swap3A_210, %swap3A_211] {strides = array<i32>} : memref<64x768xf32, #tpu.memory_space<vmem>>, vector<1x16xf32>,
      %swap3A_213 = vector.shape_cast %swap3A_212 : vector<1x16xf32> to vector<16xf32>
      %swap3A_214 = vector.shape_cast %add3A_209 : vector<16xf32> to vector<1x16xf32>
      tpu.vector_store %arg7[%swap3A_210, %swap3A_211], %swap3A_214 {strides = array<i32>} : memref<64x768xf32, #tpu.memory_space<vmem>>, vector<1x16xf32>,
      %get3A_215 = arith.index_cast %scan3A_20 : i32 to index
      %get3A_216 = arith.constant 224 : index
      %get3A_217 = tpu.vector_load %arg7[%get3A_215, %get3A_216] {strides = array<i32>} : memref<64x768xf32, #tpu.memory_space<vmem>>, vector<1x16xf32>,
      %get3A_218 = vector.shape_cast %get3A_217 : vector<1x16xf32> to vector<16xf32>
      %get3A_219 = arith.index_cast %scan3A_20 : i32 to index
      %get3A_220 = arith.constant 224 : index
      %get3A_221 = tpu.vector_load %arg8[%get3A_219, %get3A_220] {strides = array<i32>} : memref<64x768xf32, #tpu.memory_space<vmem>>, vector<1x16xf32>,
      %get3A_222 = vector.shape_cast %get3A_221 : vector<1x16xf32> to vector<16xf32>
      %add3A_223 = arith.addf %get3A_218, %get3A_222 : vector<16xf32>
      %swap3A_224 = arith.index_cast %scan3A_20 : i32 to index
      %swap3A_225 = arith.constant 224 : index
      %swap3A_226 = tpu.vector_load %arg7[%swap3A_224, %swap3A_225] {strides = array<i32>} : memref<64x768xf32, #tpu.memory_space<vmem>>, vector<1x16xf32>,
      %swap3A_227 = vector.shape_cast %swap3A_226 : vector<1x16xf32> to vector<16xf32>
      %swap3A_228 = vector.shape_cast %add3A_223 : vector<16xf32> to vector<1x16xf32>
      tpu.vector_store %arg7[%swap3A_224, %swap3A_225], %swap3A_228 {strides = array<i32>} : memref<64x768xf32, #tpu.memory_space<vmem>>, vector<1x16xf32>,
      %get3A_229 = arith.index_cast %scan3A_20 : i32 to index
      %get3A_230 = arith.constant 240 : index
      %get3A_231 = tpu.vector_load %arg7[%get3A_229, %get3A_230] {strides = array<i32>} : memref<64x768xf32, #tpu.memory_space<vmem>>, vector<1x16xf32>,
      %get3A_232 = vector.shape_cast %get3A_231 : vector<1x16xf32> to vector<16xf32>
      %get3A_233 = arith.index_cast %scan3A_20 : i32 to index
      %get3A_234 = arith.constant 240 : index
      %get3A_235 = tpu.vector_load %arg8[%get3A_233, %get3A_234] {strides = array<i32>} : memref<64x768xf32, #tpu.memory_space<vmem>>, vector<1x16xf32>,
      %get3A_236 = vector.shape_cast %get3A_235 : vector<1x16xf32> to vector<16xf32>
      %add3A_237 = arith.addf %get3A_232, %get3A_236 : vector<16xf32>
      %swap3A_238 = arith.index_cast %scan3A_20 : i32 to index
      %swap3A_239 = arith.constant 240 : index
      %swap3A_240 = tpu.vector_load %arg7[%swap3A_238, %swap3A_239] {strides = array<i32>} : memref<64x768xf32, #tpu.memory_space<vmem>>, vector<1x16xf32>,
      %swap3A_241 = vector.shape_cast %swap3A_240 : vector<1x16xf32> to vector<16xf32>
      %swap3A_242 = vector.shape_cast %add3A_237 : vector<16xf32> to vector<1x16xf32>
      tpu.vector_store %arg7[%swap3A_238, %swap3A_239], %swap3A_242 {strides = array<i32>} : memref<64x768xf32, #tpu.memory_space<vmem>>, vector<1x16xf32>,
      %get3A_243 = arith.index_cast %scan3A_20 : i32 to index
      %get3A_244 = arith.constant 256 : index
      %get3A_245 = tpu.vector_load %arg7[%get3A_243, %get3A_244] {strides = array<i32>} : memref<64x768xf32, #tpu.memory_space<vmem>>, vector<1x16xf32>,
      %get3A_246 = vector.shape_cast %get3A_245 : vector<1x16xf32> to vector<16xf32>
      %get3A_247 = arith.index_cast %scan3A_20 : i32 to index
      %get3A_248 = arith.constant 256 : index
      %get3A_249 = tpu.vector_load %arg8[%get3A_247, %get3A_248] {strides = array<i32>} : memref<64x768xf32, #tpu.memory_space<vmem>>, vector<1x16xf32>,
      %get3A_250 = vector.shape_cast %get3A_249 : vector<1x16xf32> to vector<16xf32>
      %add3A_251 = arith.addf %get3A_246, %get3A_250 : vector<16xf32>
      %swap3A_252 = arith.index_cast %scan3A_20 : i32 to index
      %swap3A_253 = arith.constant 256 : index
      %swap3A_254 = tpu.vector_load %arg7[%swap3A_252, %swap3A_253] {strides = array<i32>} : memref<64x768xf32, #tpu.memory_space<vmem>>, vector<1x16xf32>,
      %swap3A_255 = vector.shape_cast %swap3A_254 : vector<1x16xf32> to vector<16xf32>
      %swap3A_256 = vector.shape_cast %add3A_251 : vector<16xf32> to vector<1x16xf32>
      tpu.vector_store %arg7[%swap3A_252, %swap3A_253], %swap3A_256 {strides = array<i32>} : memref<64x768xf32, #tpu.memory_space<vmem>>, vector<1x16xf32>,
      %get3A_257 = arith.index_cast %scan3A_20 : i32 to index
      %get3A_258 = arith.constant 272 : index
      %get3A_259 = tpu.vector_load %arg7[%get3A_257, %get3A_258] {strides = array<i32>} : memref<64x768xf32, #tpu.memory_space<vmem>>, vector<1x16xf32>,
      %get3A_260 = vector.shape_cast %get3A_259 : vector<1x16xf32> to vector<16xf32>
      %get3A_261 = arith.index_cast %scan3A_20 : i32 to index
      %get3A_262 = arith.constant 272 : index
      %get3A_263 = tpu.vector_load %arg8[%get3A_261, %get3A_262] {strides = array<i32>} : memref<64x768xf32, #tpu.memory_space<vmem>>, vector<1x16xf32>,
      %get3A_264 = vector.shape_cast %get3A_263 : vector<1x16xf32> to vector<16xf32>
      %add3A_265 = arith.addf %get3A_260, %get3A_264 : vector<16xf32>
      %swap3A_266 = arith.index_cast %scan3A_20 : i32 to index
      %swap3A_267 = arith.constant 272 : index
      %swap3A_268 = tpu.vector_load %arg7[%swap3A_266, %swap3A_267] {strides = array<i32>} : memref<64x768xf32, #tpu.memory_space<vmem>>, vector<1x16xf32>,
      %swap3A_269 = vector.shape_cast %swap3A_268 : vector<1x16xf32> to vector<16xf32>
      %swap3A_270 = vector.shape_cast %add3A_265 : vector<16xf32> to vector<1x16xf32>
      tpu.vector_store %arg7[%swap3A_266, %swap3A_267], %swap3A_270 {strides = array<i32>} : memref<64x768xf32, #tpu.memory_space<vmem>>, vector<1x16xf32>,
      %get3A_271 = arith.index_cast %scan3A_20 : i32 to index
      %get3A_272 = arith.constant 288 : index
      %get3A_273 = tpu.vector_load %arg7[%get3A_271, %get3A_272] {strides = array<i32>} : memref<64x768xf32, #tpu.memory_space<vmem>>, vector<1x16xf32>,
      %get3A_274 = vector.shape_cast %get3A_273 : vector<1x16xf32> to vector<16xf32>
      %get3A_275 = arith.index_cast %scan3A_20 : i32 to index
      %get3A_276 = arith.constant 288 : index
      %get3A_277 = tpu.vector_load %arg8[%get3A_275, %get3A_276] {strides = array<i32>} : memref<64x768xf32, #tpu.memory_space<vmem>>, vector<1x16xf32>,
      %get3A_278 = vector.shape_cast %get3A_277 : vector<1x16xf32> to vector<16xf32>
      %add3A_279 = arith.addf %get3A_274, %get3A_278 : vector<16xf32>
      %swap3A_280 = arith.index_cast %scan3A_20 : i32 to index
      %swap3A_281 = arith.constant 288 : index
      %swap3A_282 = tpu.vector_load %arg7[%swap3A_280, %swap3A_281] {strides = array<i32>} : memref<64x768xf32, #tpu.memory_space<vmem>>, vector<1x16xf32>,
      %swap3A_283 = vector.shape_cast %swap3A_282 : vector<1x16xf32> to vector<16xf32>
      %swap3A_284 = vector.shape_cast %add3A_279 : vector<16xf32> to vector<1x16xf32>
      tpu.vector_store %arg7[%swap3A_280, %swap3A_281], %swap3A_284 {strides = array<i32>} : memref<64x768xf32, #tpu.memory_space<vmem>>, vector<1x16xf32>,
      %get3A_285 = arith.index_cast %scan3A_20 : i32 to index
      %get3A_286 = arith.constant 304 : index
      %get3A_287 = tpu.vector_load %arg7[%get3A_285, %get3A_286] {strides = array<i32>} : memref<64x768xf32, #tpu.memory_space<vmem>>, vector<1x16xf32>,
      %get3A_288 = vector.shape_cast %get3A_287 : vector<1x16xf32> to vector<16xf32>
      %get3A_289 = arith.index_cast %scan3A_20 : i32 to index
      %get3A_290 = arith.constant 304 : index
      %get3A_291 = tpu.vector_load %arg8[%get3A_289, %get3A_290] {strides = array<i32>} : memref<64x768xf32, #tpu.memory_space<vmem>>, vector<1x16xf32>,
      %get3A_292 = vector.shape_cast %get3A_291 : vector<1x16xf32> to vector<16xf32>
      %add3A_293 = arith.addf %get3A_288, %get3A_292 : vector<16xf32>
      %swap3A_294 = arith.index_cast %scan3A_20 : i32 to index
      %swap3A_295 = arith.constant 304 : index
      %swap3A_296 = tpu.vector_load %arg7[%swap3A_294, %swap3A_295] {strides = array<i32>} : memref<64x768xf32, #tpu.memory_space<vmem>>, vector<1x16xf32>,
      %swap3A_297 = vector.shape_cast %swap3A_296 : vector<1x16xf32> to vector<16xf32>
      %swap3A_298 = vector.shape_cast %add3A_293 : vector<16xf32> to vector<1x16xf32>
      tpu.vector_store %arg7[%swap3A_294, %swap3A_295], %swap3A_298 {strides = array<i32>} : memref<64x768xf32, #tpu.memory_space<vmem>>, vector<1x16xf32>,
      %get3A_299 = arith.index_cast %scan3A_20 : i32 to index
      %get3A_300 = arith.constant 320 : index
      %get3A_301 = tpu.vector_load %arg7[%get3A_299, %get3A_300] {strides = array<i32>} : memref<64x768xf32, #tpu.memory_space<vmem>>, vector<1x16xf32>,
      %get3A_302 = vector.shape_cast %get3A_301 : vector<1x16xf32> to vector<16xf32>
      %get3A_303 = arith.index_cast %scan3A_20 : i32 to index
      %get3A_304 = arith.constant 320 : index
      %get3A_305 = tpu.vector_load %arg8[%get3A_303, %get3A_304] {strides = array<i32>} : memref<64x768xf32, #tpu.memory_space<vmem>>, vector<1x16xf32>,
      %get3A_306 = vector.shape_cast %get3A_305 : vector<1x16xf32> to vector<16xf32>
      %add3A_307 = arith.addf %get3A_302, %get3A_306 : vector<16xf32>
      %swap3A_308 = arith.index_cast %scan3A_20 : i32 to index
      %swap3A_309 = arith.constant 320 : index
      %swap3A_310 = tpu.vector_load %arg7[%swap3A_308, %swap3A_309] {strides = array<i32>} : memref<64x768xf32, #tpu.memory_space<vmem>>, vector<1x16xf32>,
      %swap3A_311 = vector.shape_cast %swap3A_310 : vector<1x16xf32> to vector<16xf32>
      %swap3A_312 = vector.shape_cast %add3A_307 : vector<16xf32> to vector<1x16xf32>
      tpu.vector_store %arg7[%swap3A_308, %swap3A_309], %swap3A_312 {strides = array<i32>} : memref<64x768xf32, #tpu.memory_space<vmem>>, vector<1x16xf32>,
      %get3A_313 = arith.index_cast %scan3A_20 : i32 to index
      %get3A_314 = arith.constant 336 : index
      %get3A_315 = tpu.vector_load %arg7[%get3A_313, %get3A_314] {strides = array<i32>} : memref<64x768xf32, #tpu.memory_space<vmem>>, vector<1x16xf32>,
      %get3A_316 = vector.shape_cast %get3A_315 : vector<1x16xf32> to vector<16xf32>
      %get3A_317 = arith.index_cast %scan3A_20 : i32 to index
      %get3A_318 = arith.constant 336 : index
      %get3A_319 = tpu.vector_load %arg8[%get3A_317, %get3A_318] {strides = array<i32>} : memref<64x768xf32, #tpu.memory_space<vmem>>, vector<1x16xf32>,
      %get3A_320 = vector.shape_cast %get3A_319 : vector<1x16xf32> to vector<16xf32>
      %add3A_321 = arith.addf %get3A_316, %get3A_320 : vector<16xf32>
      %swap3A_322 = arith.index_cast %scan3A_20 : i32 to index
      %swap3A_323 = arith.constant 336 : index
      %swap3A_324 = tpu.vector_load %arg7[%swap3A_322, %swap3A_323] {strides = array<i32>} : memref<64x768xf32, #tpu.memory_space<vmem>>, vector<1x16xf32>,
      %swap3A_325 = vector.shape_cast %swap3A_324 : vector<1x16xf32> to vector<16xf32>
      %swap3A_326 = vector.shape_cast %add3A_321 : vector<16xf32> to vector<1x16xf32>
      tpu.vector_store %arg7[%swap3A_322, %swap3A_323], %swap3A_326 {strides = array<i32>} : memref<64x768xf32, #tpu.memory_space<vmem>>, vector<1x16xf32>,
      %get3A_327 = arith.index_cast %scan3A_20 : i32 to index
      %get3A_328 = arith.constant 352 : index
      %get3A_329 = tpu.vector_load %arg7[%get3A_327, %get3A_328] {strides = array<i32>} : memref<64x768xf32, #tpu.memory_space<vmem>>, vector<1x16xf32>,
      %get3A_330 = vector.shape_cast %get3A_329 : vector<1x16xf32> to vector<16xf32>
      %get3A_331 = arith.index_cast %scan3A_20 : i32 to index
      %get3A_332 = arith.constant 352 : index
      %get3A_333 = tpu.vector_load %arg8[%get3A_331, %get3A_332] {strides = array<i32>} : memref<64x768xf32, #tpu.memory_space<vmem>>, vector<1x16xf32>,
      %get3A_334 = vector.shape_cast %get3A_333 : vector<1x16xf32> to vector<16xf32>
      %add3A_335 = arith.addf %get3A_330, %get3A_334 : vector<16xf32>
      %swap3A_336 = arith.index_cast %scan3A_20 : i32 to index
      %swap3A_337 = arith.constant 352 : index
      %swap3A_338 = tpu.vector_load %arg7[%swap3A_336, %swap3A_337] {strides = array<i32>} : memref<64x768xf32, #tpu.memory_space<vmem>>, vector<1x16xf32>,
      %swap3A_339 = vector.shape_cast %swap3A_338 : vector<1x16xf32> to vector<16xf32>
      %swap3A_340 = vector.shape_cast %add3A_335 : vector<16xf32> to vector<1x16xf32>
      tpu.vector_store %arg7[%swap3A_336, %swap3A_337], %swap3A_340 {strides = array<i32>} : memref<64x768xf32, #tpu.memory_space<vmem>>, vector<1x16xf32>,
      %get3A_341 = arith.index_cast %scan3A_20 : i32 to index
      %get3A_342 = arith.constant 368 : index
      %get3A_343 = tpu.vector_load %arg7[%get3A_341, %get3A_342] {strides = array<i32>} : memref<64x768xf32, #tpu.memory_space<vmem>>, vector<1x16xf32>,
      %get3A_344 = vector.shape_cast %get3A_343 : vector<1x16xf32> to vector<16xf32>
      %get3A_345 = arith.index_cast %scan3A_20 : i32 to index
      %get3A_346 = arith.constant 368 : index
      %get3A_347 = tpu.vector_load %arg8[%get3A_345, %get3A_346] {strides = array<i32>} : memref<64x768xf32, #tpu.memory_space<vmem>>, vector<1x16xf32>,
      %get3A_348 = vector.shape_cast %get3A_347 : vector<1x16xf32> to vector<16xf32>
      %add3A_349 = arith.addf %get3A_344, %get3A_348 : vector<16xf32>
      %swap3A_350 = arith.index_cast %scan3A_20 : i32 to index
      %swap3A_351 = arith.constant 368 : index
      %swap3A_352 = tpu.vector_load %arg7[%swap3A_350, %swap3A_351] {strides = array<i32>} : memref<64x768xf32, #tpu.memory_space<vmem>>, vector<1x16xf32>,
      %swap3A_353 = vector.shape_cast %swap3A_352 : vector<1x16xf32> to vector<16xf32>
      %swap3A_354 = vector.shape_cast %add3A_349 : vector<16xf32> to vector<1x16xf32>
      tpu.vector_store %arg7[%swap3A_350, %swap3A_351], %swap3A_354 {strides = array<i32>} : memref<64x768xf32, #tpu.memory_space<vmem>>, vector<1x16xf32>,
      %get3A_355 = arith.index_cast %scan3A_20 : i32 to index
      %get3A_356 = arith.constant 384 : index
      %get3A_357 = tpu.vector_load %arg7[%get3A_355, %get3A_356] {strides = array<i32>} : memref<64x768xf32, #tpu.memory_space<vmem>>, vector<1x16xf32>,
      %get3A_358 = vector.shape_cast %get3A_357 : vector<1x16xf32> to vector<16xf32>
      %get3A_359 = arith.index_cast %scan3A_20 : i32 to index
      %get3A_360 = arith.constant 384 : index
      %get3A_361 = tpu.vector_load %arg8[%get3A_359, %get3A_360] {strides = array<i32>} : memref<64x768xf32, #tpu.memory_space<vmem>>, vector<1x16xf32>,
      %get3A_362 = vector.shape_cast %get3A_361 : vector<1x16xf32> to vector<16xf32>
      %add3A_363 = arith.addf %get3A_358, %get3A_362 : vector<16xf32>
      %swap3A_364 = arith.index_cast %scan3A_20 : i32 to index
      %swap3A_365 = arith.constant 384 : index
      %swap3A_366 = tpu.vector_load %arg7[%swap3A_364, %swap3A_365] {strides = array<i32>} : memref<64x768xf32, #tpu.memory_space<vmem>>, vector<1x16xf32>,
      %swap3A_367 = vector.shape_cast %swap3A_366 : vector<1x16xf32> to vector<16xf32>
      %swap3A_368 = vector.shape_cast %add3A_363 : vector<16xf32> to vector<1x16xf32>
      tpu.vector_store %arg7[%swap3A_364, %swap3A_365], %swap3A_368 {strides = array<i32>} : memref<64x768xf32, #tpu.memory_space<vmem>>, vector<1x16xf32>,
      %get3A_369 = arith.index_cast %scan3A_20 : i32 to index
      %get3A_370 = arith.constant 400 : index
      %get3A_371 = tpu.vector_load %arg7[%get3A_369, %get3A_370] {strides = array<i32>} : memref<64x768xf32, #tpu.memory_space<vmem>>, vector<1x16xf32>,
      %get3A_372 = vector.shape_cast %get3A_371 : vector<1x16xf32> to vector<16xf32>
      %get3A_373 = arith.index_cast %scan3A_20 : i32 to index
      %get3A_374 = arith.constant 400 : index
      %get3A_375 = tpu.vector_load %arg8[%get3A_373, %get3A_374] {strides = array<i32>} : memref<64x768xf32, #tpu.memory_space<vmem>>, vector<1x16xf32>,
      %get3A_376 = vector.shape_cast %get3A_375 : vector<1x16xf32> to vector<16xf32>
      %add3A_377 = arith.addf %get3A_372, %get3A_376 : vector<16xf32>
      %swap3A_378 = arith.index_cast %scan3A_20 : i32 to index
      %swap3A_379 = arith.constant 400 : index
      %swap3A_380 = tpu.vector_load %arg7[%swap3A_378, %swap3A_379] {strides = array<i32>} : memref<64x768xf32, #tpu.memory_space<vmem>>, vector<1x16xf32>,
      %swap3A_381 = vector.shape_cast %swap3A_380 : vector<1x16xf32> to vector<16xf32>
      %swap3A_382 = vector.shape_cast %add3A_377 : vector<16xf32> to vector<1x16xf32>
      tpu.vector_store %arg7[%swap3A_378, %swap3A_379], %swap3A_382 {strides = array<i32>} : memref<64x768xf32, #tpu.memory_space<vmem>>, vector<1x16xf32>,
      %get3A_383 = arith.index_cast %scan3A_20 : i32 to index
      %get3A_384 = arith.constant 416 : index
      %get3A_385 = tpu.vector_load %arg7[%get3A_383, %get3A_384] {strides = array<i32>} : memref<64x768xf32, #tpu.memory_space<vmem>>, vector<1x16xf32>,
      %get3A_386 = vector.shape_cast %get3A_385 : vector<1x16xf32> to vector<16xf32>
      %get3A_387 = arith.index_cast %scan3A_20 : i32 to index
      %get3A_388 = arith.constant 416 : index
      %get3A_389 = tpu.vector_load %arg8[%get3A_387, %get3A_388] {strides = array<i32>} : memref<64x768xf32, #tpu.memory_space<vmem>>, vector<1x16xf32>,
      %get3A_390 = vector.shape_cast %get3A_389 : vector<1x16xf32> to vector<16xf32>
      %add3A_391 = arith.addf %get3A_386, %get3A_390 : vector<16xf32>
      %swap3A_392 = arith.index_cast %scan3A_20 : i32 to index
      %swap3A_393 = arith.constant 416 : index
      %swap3A_394 = tpu.vector_load %arg7[%swap3A_392, %swap3A_393] {strides = array<i32>} : memref<64x768xf32, #tpu.memory_space<vmem>>, vector<1x16xf32>,
      %swap3A_395 = vector.shape_cast %swap3A_394 : vector<1x16xf32> to vector<16xf32>
      %swap3A_396 = vector.shape_cast %add3A_391 : vector<16xf32> to vector<1x16xf32>
      tpu.vector_store %arg7[%swap3A_392, %swap3A_393], %swap3A_396 {strides = array<i32>} : memref<64x768xf32, #tpu.memory_space<vmem>>, vector<1x16xf32>,
      %get3A_397 = arith.index_cast %scan3A_20 : i32 to index
      %get3A_398 = arith.constant 432 : index
      %get3A_399 = tpu.vector_load %arg7[%get3A_397, %get3A_398] {strides = array<i32>} : memref<64x768xf32, #tpu.memory_space<vmem>>, vector<1x16xf32>,
      %get3A_400 = vector.shape_cast %get3A_399 : vector<1x16xf32> to vector<16xf32>
      %get3A_401 = arith.index_cast %scan3A_20 : i32 to index
      %get3A_402 = arith.constant 432 : index
      %get3A_403 = tpu.vector_load %arg8[%get3A_401, %get3A_402] {strides = array<i32>} : memref<64x768xf32, #tpu.memory_space<vmem>>, vector<1x16xf32>,
      %get3A_404 = vector.shape_cast %get3A_403 : vector<1x16xf32> to vector<16xf32>
      %add3A_405 = arith.addf %get3A_400, %get3A_404 : vector<16xf32>
      %swap3A_406 = arith.index_cast %scan3A_20 : i32 to index
      %swap3A_407 = arith.constant 432 : index
      %swap3A_408 = tpu.vector_load %arg7[%swap3A_406, %swap3A_407] {strides = array<i32>} : memref<64x768xf32, #tpu.memory_space<vmem>>, vector<1x16xf32>,
      %swap3A_409 = vector.shape_cast %swap3A_408 : vector<1x16xf32> to vector<16xf32>
      %swap3A_410 = vector.shape_cast %add3A_405 : vector<16xf32> to vector<1x16xf32>
      tpu.vector_store %arg7[%swap3A_406, %swap3A_407], %swap3A_410 {strides = array<i32>} : memref<64x768xf32, #tpu.memory_space<vmem>>, vector<1x16xf32>,
      %get3A_411 = arith.index_cast %scan3A_20 : i32 to index
      %get3A_412 = arith.constant 448 : index
      %get3A_413 = tpu.vector_load %arg7[%get3A_411, %get3A_412] {strides = array<i32>} : memref<64x768xf32, #tpu.memory_space<vmem>>, vector<1x16xf32>,
      %get3A_414 = vector.shape_cast %get3A_413 : vector<1x16xf32> to vector<16xf32>
      %get3A_415 = arith.index_cast %scan3A_20 : i32 to index
      %get3A_416 = arith.constant 448 : index
      %get3A_417 = tpu.vector_load %arg8[%get3A_415, %get3A_416] {strides = array<i32>} : memref<64x768xf32, #tpu.memory_space<vmem>>, vector<1x16xf32>,
      %get3A_418 = vector.shape_cast %get3A_417 : vector<1x16xf32> to vector<16xf32>
      %add3A_419 = arith.addf %get3A_414, %get3A_418 : vector<16xf32>
      %swap3A_420 = arith.index_cast %scan3A_20 : i32 to index
      %swap3A_421 = arith.constant 448 : index
      %swap3A_422 = tpu.vector_load %arg7[%swap3A_420, %swap3A_421] {strides = array<i32>} : memref<64x768xf32, #tpu.memory_space<vmem>>, vector<1x16xf32>,
      %swap3A_423 = vector.shape_cast %swap3A_422 : vector<1x16xf32> to vector<16xf32>
      %swap3A_424 = vector.shape_cast %add3A_419 : vector<16xf32> to vector<1x16xf32>
      tpu.vector_store %arg7[%swap3A_420, %swap3A_421], %swap3A_424 {strides = array<i32>} : memref<64x768xf32, #tpu.memory_space<vmem>>, vector<1x16xf32>,
      %get3A_425 = arith.index_cast %scan3A_20 : i32 to index
      %get3A_426 = arith.constant 464 : index
      %get3A_427 = tpu.vector_load %arg7[%get3A_425, %get3A_426] {strides = array<i32>} : memref<64x768xf32, #tpu.memory_space<vmem>>, vector<1x16xf32>,
      %get3A_428 = vector.shape_cast %get3A_427 : vector<1x16xf32> to vector<16xf32>
      %get3A_429 = arith.index_cast %scan3A_20 : i32 to index
      %get3A_430 = arith.constant 464 : index
      %get3A_431 = tpu.vector_load %arg8[%get3A_429, %get3A_430] {strides = array<i32>} : memref<64x768xf32, #tpu.memory_space<vmem>>, vector<1x16xf32>,
      %get3A_432 = vector.shape_cast %get3A_431 : vector<1x16xf32> to vector<16xf32>
      %add3A_433 = arith.addf %get3A_428, %get3A_432 : vector<16xf32>
      %swap3A_434 = arith.index_cast %scan3A_20 : i32 to index
      %swap3A_435 = arith.constant 464 : index
      %swap3A_436 = tpu.vector_load %arg7[%swap3A_434, %swap3A_435] {strides = array<i32>} : memref<64x768xf32, #tpu.memory_space<vmem>>, vector<1x16xf32>,
      %swap3A_437 = vector.shape_cast %swap3A_436 : vector<1x16xf32> to vector<16xf32>
      %swap3A_438 = vector.shape_cast %add3A_433 : vector<16xf32> to vector<1x16xf32>
      tpu.vector_store %arg7[%swap3A_434, %swap3A_435], %swap3A_438 {strides = array<i32>} : memref<64x768xf32, #tpu.memory_space<vmem>>, vector<1x16xf32>,
      %get3A_439 = arith.index_cast %scan3A_20 : i32 to index
      %get3A_440 = arith.constant 480 : index
      %get3A_441 = tpu.vector_load %arg7[%get3A_439, %get3A_440] {strides = array<i32>} : memref<64x768xf32, #tpu.memory_space<vmem>>, vector<1x16xf32>,
      %get3A_442 = vector.shape_cast %get3A_441 : vector<1x16xf32> to vector<16xf32>
      %get3A_443 = arith.index_cast %scan3A_20 : i32 to index
      %get3A_444 = arith.constant 480 : index
      %get3A_445 = tpu.vector_load %arg8[%get3A_443, %get3A_444] {strides = array<i32>} : memref<64x768xf32, #tpu.memory_space<vmem>>, vector<1x16xf32>,
      %get3A_446 = vector.shape_cast %get3A_445 : vector<1x16xf32> to vector<16xf32>
      %add3A_447 = arith.addf %get3A_442, %get3A_446 : vector<16xf32>
      %swap3A_448 = arith.index_cast %scan3A_20 : i32 to index
      %swap3A_449 = arith.constant 480 : index
      %swap3A_450 = tpu.vector_load %arg7[%swap3A_448, %swap3A_449] {strides = array<i32>} : memref<64x768xf32, #tpu.memory_space<vmem>>, vector<1x16xf32>,
      %swap3A_451 = vector.shape_cast %swap3A_450 : vector<1x16xf32> to vector<16xf32>
      %swap3A_452 = vector.shape_cast %add3A_447 : vector<16xf32> to vector<1x16xf32>
      tpu.vector_store %arg7[%swap3A_448, %swap3A_449], %swap3A_452 {strides = array<i32>} : memref<64x768xf32, #tpu.memory_space<vmem>>, vector<1x16xf32>,
      %get3A_453 = arith.index_cast %scan3A_20 : i32 to index
      %get3A_454 = arith.constant 496 : index
      %get3A_455 = tpu.vector_load %arg7[%get3A_453, %get3A_454] {strides = array<i32>} : memref<64x768xf32, #tpu.memory_space<vmem>>, vector<1x16xf32>,
      %get3A_456 = vector.shape_cast %get3A_455 : vector<1x16xf32> to vector<16xf32>
      %get3A_457 = arith.index_cast %scan3A_20 : i32 to index
      %get3A_458 = arith.constant 496 : index
      %get3A_459 = tpu.vector_load %arg8[%get3A_457, %get3A_458] {strides = array<i32>} : memref<64x768xf32, #tpu.memory_space<vmem>>, vector<1x16xf32>,
      %get3A_460 = vector.shape_cast %get3A_459 : vector<1x16xf32> to vector<16xf32>
      %add3A_461 = arith.addf %get3A_456, %get3A_460 : vector<16xf32>
      %swap3A_462 = arith.index_cast %scan3A_20 : i32 to index
      %swap3A_463 = arith.constant 496 : index
      %swap3A_464 = tpu.vector_load %arg7[%swap3A_462, %swap3A_463] {strides = array<i32>} : memref<64x768xf32, #tpu.memory_space<vmem>>, vector<1x16xf32>,
      %swap3A_465 = vector.shape_cast %swap3A_464 : vector<1x16xf32> to vector<16xf32>
      %swap3A_466 = vector.shape_cast %add3A_461 : vector<16xf32> to vector<1x16xf32>
      tpu.vector_store %arg7[%swap3A_462, %swap3A_463], %swap3A_466 {strides = array<i32>} : memref<64x768xf32, #tpu.memory_space<vmem>>, vector<1x16xf32>,
      %get3A_467 = arith.index_cast %scan3A_20 : i32 to index
      %get3A_468 = arith.constant 512 : index
      %get3A_469 = tpu.vector_load %arg7[%get3A_467, %get3A_468] {strides = array<i32>} : memref<64x768xf32, #tpu.memory_space<vmem>>, vector<1x16xf32>,
      %get3A_470 = vector.shape_cast %get3A_469 : vector<1x16xf32> to vector<16xf32>
      %get3A_471 = arith.index_cast %scan3A_20 : i32 to index
      %get3A_472 = arith.constant 512 : index
      %get3A_473 = tpu.vector_load %arg8[%get3A_471, %get3A_472] {strides = array<i32>} : memref<64x768xf32, #tpu.memory_space<vmem>>, vector<1x16xf32>,
      %get3A_474 = vector.shape_cast %get3A_473 : vector<1x16xf32> to vector<16xf32>
      %add3A_475 = arith.addf %get3A_470, %get3A_474 : vector<16xf32>
      %swap3A_476 = arith.index_cast %scan3A_20 : i32 to index
      %swap3A_477 = arith.constant 512 : index
      %swap3A_478 = tpu.vector_load %arg7[%swap3A_476, %swap3A_477] {strides = array<i32>} : memref<64x768xf32, #tpu.memory_space<vmem>>, vector<1x16xf32>,
      %swap3A_479 = vector.shape_cast %swap3A_478 : vector<1x16xf32> to vector<16xf32>
      %swap3A_480 = vector.shape_cast %add3A_475 : vector<16xf32> to vector<1x16xf32>
      tpu.vector_store %arg7[%swap3A_476, %swap3A_477], %swap3A_480 {strides = array<i32>} : memref<64x768xf32, #tpu.memory_space<vmem>>, vector<1x16xf32>,
      %get3A_481 = arith.index_cast %scan3A_20 : i32 to index
      %get3A_482 = arith.constant 528 : index
      %get3A_483 = tpu.vector_load %arg7[%get3A_481, %get3A_482] {strides = array<i32>} : memref<64x768xf32, #tpu.memory_space<vmem>>, vector<1x16xf32>,
      %get3A_484 = vector.shape_cast %get3A_483 : vector<1x16xf32> to vector<16xf32>
      %get3A_485 = arith.index_cast %scan3A_20 : i32 to index
      %get3A_486 = arith.constant 528 : index
      %get3A_487 = tpu.vector_load %arg8[%get3A_485, %get3A_486] {strides = array<i32>} : memref<64x768xf32, #tpu.memory_space<vmem>>, vector<1x16xf32>,
      %get3A_488 = vector.shape_cast %get3A_487 : vector<1x16xf32> to vector<16xf32>
      %add3A_489 = arith.addf %get3A_484, %get3A_488 : vector<16xf32>
      %swap3A_490 = arith.index_cast %scan3A_20 : i32 to index
      %swap3A_491 = arith.constant 528 : index
      %swap3A_492 = tpu.vector_load %arg7[%swap3A_490, %swap3A_491] {strides = array<i32>} : memref<64x768xf32, #tpu.memory_space<vmem>>, vector<1x16xf32>,
      %swap3A_493 = vector.shape_cast %swap3A_492 : vector<1x16xf32> to vector<16xf32>
      %swap3A_494 = vector.shape_cast %add3A_489 : vector<16xf32> to vector<1x16xf32>
      tpu.vector_store %arg7[%swap3A_490, %swap3A_491], %swap3A_494 {strides = array<i32>} : memref<64x768xf32, #tpu.memory_space<vmem>>, vector<1x16xf32>,
      %get3A_495 = arith.index_cast %scan3A_20 : i32 to index
      %get3A_496 = arith.constant 544 : index
      %get3A_497 = tpu.vector_load %arg7[%get3A_495, %get3A_496] {strides = array<i32>} : memref<64x768xf32, #tpu.memory_space<vmem>>, vector<1x16xf32>,
      %get3A_498 = vector.shape_cast %get3A_497 : vector<1x16xf32> to vector<16xf32>
      %get3A_499 = arith.index_cast %scan3A_20 : i32 to index
      %get3A_500 = arith.constant 544 : index
      %get3A_501 = tpu.vector_load %arg8[%get3A_499, %get3A_500] {strides = array<i32>} : memref<64x768xf32, #tpu.memory_space<vmem>>, vector<1x16xf32>,
      %get3A_502 = vector.shape_cast %get3A_501 : vector<1x16xf32> to vector<16xf32>
      %add3A_503 = arith.addf %get3A_498, %get3A_502 : vector<16xf32>
      %swap3A_504 = arith.index_cast %scan3A_20 : i32 to index
      %swap3A_505 = arith.constant 544 : index
      %swap3A_506 = tpu.vector_load %arg7[%swap3A_504, %swap3A_505] {strides = array<i32>} : memref<64x768xf32, #tpu.memory_space<vmem>>, vector<1x16xf32>,
      %swap3A_507 = vector.shape_cast %swap3A_506 : vector<1x16xf32> to vector<16xf32>
      %swap3A_508 = vector.shape_cast %add3A_503 : vector<16xf32> to vector<1x16xf32>
      tpu.vector_store %arg7[%swap3A_504, %swap3A_505], %swap3A_508 {strides = array<i32>} : memref<64x768xf32, #tpu.memory_space<vmem>>, vector<1x16xf32>,
      %get3A_509 = arith.index_cast %scan3A_20 : i32 to index
      %get3A_510 = arith.constant 560 : index
      %get3A_511 = tpu.vector_load %arg7[%get3A_509, %get3A_510] {strides = array<i32>} : memref<64x768xf32, #tpu.memory_space<vmem>>, vector<1x16xf32>,
      %get3A_512 = vector.shape_cast %get3A_511 : vector<1x16xf32> to vector<16xf32>
      %get3A_513 = arith.index_cast %scan3A_20 : i32 to index
      %get3A_514 = arith.constant 560 : index
      %get3A_515 = tpu.vector_load %arg8[%get3A_513, %get3A_514] {strides = array<i32>} : memref<64x768xf32, #tpu.memory_space<vmem>>, vector<1x16xf32>,
      %get3A_516 = vector.shape_cast %get3A_515 : vector<1x16xf32> to vector<16xf32>
      %add3A_517 = arith.addf %get3A_512, %get3A_516 : vector<16xf32>
      %swap3A_518 = arith.index_cast %scan3A_20 : i32 to index
      %swap3A_519 = arith.constant 560 : index
      %swap3A_520 = tpu.vector_load %arg7[%swap3A_518, %swap3A_519] {strides = array<i32>} : memref<64x768xf32, #tpu.memory_space<vmem>>, vector<1x16xf32>,
      %swap3A_521 = vector.shape_cast %swap3A_520 : vector<1x16xf32> to vector<16xf32>
      %swap3A_522 = vector.shape_cast %add3A_517 : vector<16xf32> to vector<1x16xf32>
      tpu.vector_store %arg7[%swap3A_518, %swap3A_519], %swap3A_522 {strides = array<i32>} : memref<64x768xf32, #tpu.memory_space<vmem>>, vector<1x16xf32>,
      %get3A_523 = arith.index_cast %scan3A_20 : i32 to index
      %get3A_524 = arith.constant 576 : index
      %get3A_525 = tpu.vector_load %arg7[%get3A_523, %get3A_524] {strides = array<i32>} : memref<64x768xf32, #tpu.memory_space<vmem>>, vector<1x16xf32>,
      %get3A_526 = vector.shape_cast %get3A_525 : vector<1x16xf32> to vector<16xf32>
      %get3A_527 = arith.index_cast %scan3A_20 : i32 to index
      %get3A_528 = arith.constant 576 : index
      %get3A_529 = tpu.vector_load %arg8[%get3A_527, %get3A_528] {strides = array<i32>} : memref<64x768xf32, #tpu.memory_space<vmem>>, vector<1x16xf32>,
      %get3A_530 = vector.shape_cast %get3A_529 : vector<1x16xf32> to vector<16xf32>
      %add3A_531 = arith.addf %get3A_526, %get3A_530 : vector<16xf32>
      %swap3A_532 = arith.index_cast %scan3A_20 : i32 to index
      %swap3A_533 = arith.constant 576 : index
      %swap3A_534 = tpu.vector_load %arg7[%swap3A_532, %swap3A_533] {strides = array<i32>} : memref<64x768xf32, #tpu.memory_space<vmem>>, vector<1x16xf32>,
      %swap3A_535 = vector.shape_cast %swap3A_534 : vector<1x16xf32> to vector<16xf32>
      %swap3A_536 = vector.shape_cast %add3A_531 : vector<16xf32> to vector<1x16xf32>
      tpu.vector_store %arg7[%swap3A_532, %swap3A_533], %swap3A_536 {strides = array<i32>} : memref<64x768xf32, #tpu.memory_space<vmem>>, vector<1x16xf32>,
      %get3A_537 = arith.index_cast %scan3A_20 : i32 to index
      %get3A_538 = arith.constant 592 : index
      %get3A_539 = tpu.vector_load %arg7[%get3A_537, %get3A_538] {strides = array<i32>} : memref<64x768xf32, #tpu.memory_space<vmem>>, vector<1x16xf32>,
      %get3A_540 = vector.shape_cast %get3A_539 : vector<1x16xf32> to vector<16xf32>
      %get3A_541 = arith.index_cast %scan3A_20 : i32 to index
      %get3A_542 = arith.constant 592 : index
      %get3A_543 = tpu.vector_load %arg8[%get3A_541, %get3A_542] {strides = array<i32>} : memref<64x768xf32, #tpu.memory_space<vmem>>, vector<1x16xf32>,
      %get3A_544 = vector.shape_cast %get3A_543 : vector<1x16xf32> to vector<16xf32>
      %add3A_545 = arith.addf %get3A_540, %get3A_544 : vector<16xf32>
      %swap3A_546 = arith.index_cast %scan3A_20 : i32 to index
      %swap3A_547 = arith.constant 592 : index
      %swap3A_548 = tpu.vector_load %arg7[%swap3A_546, %swap3A_547] {strides = array<i32>} : memref<64x768xf32, #tpu.memory_space<vmem>>, vector<1x16xf32>,
      %swap3A_549 = vector.shape_cast %swap3A_548 : vector<1x16xf32> to vector<16xf32>
      %swap3A_550 = vector.shape_cast %add3A_545 : vector<16xf32> to vector<1x16xf32>
      tpu.vector_store %arg7[%swap3A_546, %swap3A_547], %swap3A_550 {strides = array<i32>} : memref<64x768xf32, #tpu.memory_space<vmem>>, vector<1x16xf32>,
      %get3A_551 = arith.index_cast %scan3A_20 : i32 to index
      %get3A_552 = arith.constant 608 : index
      %get3A_553 = tpu.vector_load %arg7[%get3A_551, %get3A_552] {strides = array<i32>} : memref<64x768xf32, #tpu.memory_space<vmem>>, vector<1x16xf32>,
      %get3A_554 = vector.shape_cast %get3A_553 : vector<1x16xf32> to vector<16xf32>
      %get3A_555 = arith.index_cast %scan3A_20 : i32 to index
      %get3A_556 = arith.constant 608 : index
      %get3A_557 = tpu.vector_load %arg8[%get3A_555, %get3A_556] {strides = array<i32>} : memref<64x768xf32, #tpu.memory_space<vmem>>, vector<1x16xf32>,
      %get3A_558 = vector.shape_cast %get3A_557 : vector<1x16xf32> to vector<16xf32>
      %add3A_559 = arith.addf %get3A_554, %get3A_558 : vector<16xf32>
      %swap3A_560 = arith.index_cast %scan3A_20 : i32 to index
      %swap3A_561 = arith.constant 608 : index
      %swap3A_562 = tpu.vector_load %arg7[%swap3A_560, %swap3A_561] {strides = array<i32>} : memref<64x768xf32, #tpu.memory_space<vmem>>, vector<1x16xf32>,
      %swap3A_563 = vector.shape_cast %swap3A_562 : vector<1x16xf32> to vector<16xf32>
      %swap3A_564 = vector.shape_cast %add3A_559 : vector<16xf32> to vector<1x16xf32>
      tpu.vector_store %arg7[%swap3A_560, %swap3A_561], %swap3A_564 {strides = array<i32>} : memref<64x768xf32, #tpu.memory_space<vmem>>, vector<1x16xf32>,
      %get3A_565 = arith.index_cast %scan3A_20 : i32 to index
      %get3A_566 = arith.constant 624 : index
      %get3A_567 = tpu.vector_load %arg7[%get3A_565, %get3A_566] {strides = array<i32>} : memref<64x768xf32, #tpu.memory_space<vmem>>, vector<1x16xf32>,
      %get3A_568 = vector.shape_cast %get3A_567 : vector<1x16xf32> to vector<16xf32>
      %get3A_569 = arith.index_cast %scan3A_20 : i32 to index
      %get3A_570 = arith.constant 624 : index
      %get3A_571 = tpu.vector_load %arg8[%get3A_569, %get3A_570] {strides = array<i32>} : memref<64x768xf32, #tpu.memory_space<vmem>>, vector<1x16xf32>,
      %get3A_572 = vector.shape_cast %get3A_571 : vector<1x16xf32> to vector<16xf32>
      %add3A_573 = arith.addf %get3A_568, %get3A_572 : vector<16xf32>
      %swap3A_574 = arith.index_cast %scan3A_20 : i32 to index
      %swap3A_575 = arith.constant 624 : index
      %swap3A_576 = tpu.vector_load %arg7[%swap3A_574, %swap3A_575] {strides = array<i32>} : memref<64x768xf32, #tpu.memory_space<vmem>>, vector<1x16xf32>,
      %swap3A_577 = vector.shape_cast %swap3A_576 : vector<1x16xf32> to vector<16xf32>
      %swap3A_578 = vector.shape_cast %add3A_573 : vector<16xf32> to vector<1x16xf32>
      tpu.vector_store %arg7[%swap3A_574, %swap3A_575], %swap3A_578 {strides = array<i32>} : memref<64x768xf32, #tpu.memory_space<vmem>>, vector<1x16xf32>,
      %get3A_579 = arith.index_cast %scan3A_20 : i32 to index
      %get3A_580 = arith.constant 640 : index
      %get3A_581 = tpu.vector_load %arg7[%get3A_579, %get3A_580] {strides = array<i32>} : memref<64x768xf32, #tpu.memory_space<vmem>>, vector<1x16xf32>,
      %get3A_582 = vector.shape_cast %get3A_581 : vector<1x16xf32> to vector<16xf32>
      %get3A_583 = arith.index_cast %scan3A_20 : i32 to index
      %get3A_584 = arith.constant 640 : index
      %get3A_585 = tpu.vector_load %arg8[%get3A_583, %get3A_584] {strides = array<i32>} : memref<64x768xf32, #tpu.memory_space<vmem>>, vector<1x16xf32>,
      %get3A_586 = vector.shape_cast %get3A_585 : vector<1x16xf32> to vector<16xf32>
      %add3A_587 = arith.addf %get3A_582, %get3A_586 : vector<16xf32>
      %swap3A_588 = arith.index_cast %scan3A_20 : i32 to index
      %swap3A_589 = arith.constant 640 : index
      %swap3A_590 = tpu.vector_load %arg7[%swap3A_588, %swap3A_589] {strides = array<i32>} : memref<64x768xf32, #tpu.memory_space<vmem>>, vector<1x16xf32>,
      %swap3A_591 = vector.shape_cast %swap3A_590 : vector<1x16xf32> to vector<16xf32>
      %swap3A_592 = vector.shape_cast %add3A_587 : vector<16xf32> to vector<1x16xf32>
      tpu.vector_store %arg7[%swap3A_588, %swap3A_589], %swap3A_592 {strides = array<i32>} : memref<64x768xf32, #tpu.memory_space<vmem>>, vector<1x16xf32>,
      %get3A_593 = arith.index_cast %scan3A_20 : i32 to index
      %get3A_594 = arith.constant 656 : index
      %get3A_595 = tpu.vector_load %arg7[%get3A_593, %get3A_594] {strides = array<i32>} : memref<64x768xf32, #tpu.memory_space<vmem>>, vector<1x16xf32>,
      %get3A_596 = vector.shape_cast %get3A_595 : vector<1x16xf32> to vector<16xf32>
      %get3A_597 = arith.index_cast %scan3A_20 : i32 to index
      %get3A_598 = arith.constant 656 : index
      %get3A_599 = tpu.vector_load %arg8[%get3A_597, %get3A_598] {strides = array<i32>} : memref<64x768xf32, #tpu.memory_space<vmem>>, vector<1x16xf32>,
      %get3A_600 = vector.shape_cast %get3A_599 : vector<1x16xf32> to vector<16xf32>
      %add3A_601 = arith.addf %get3A_596, %get3A_600 : vector<16xf32>
      %swap3A_602 = arith.index_cast %scan3A_20 : i32 to index
      %swap3A_603 = arith.constant 656 : index
      %swap3A_604 = tpu.vector_load %arg7[%swap3A_602, %swap3A_603] {strides = array<i32>} : memref<64x768xf32, #tpu.memory_space<vmem>>, vector<1x16xf32>,
      %swap3A_605 = vector.shape_cast %swap3A_604 : vector<1x16xf32> to vector<16xf32>
      %swap3A_606 = vector.shape_cast %add3A_601 : vector<16xf32> to vector<1x16xf32>
      tpu.vector_store %arg7[%swap3A_602, %swap3A_603], %swap3A_606 {strides = array<i32>} : memref<64x768xf32, #tpu.memory_space<vmem>>, vector<1x16xf32>,
      %get3A_607 = arith.index_cast %scan3A_20 : i32 to index
      %get3A_608 = arith.constant 672 : index
      %get3A_609 = tpu.vector_load %arg7[%get3A_607, %get3A_608] {strides = array<i32>} : memref<64x768xf32, #tpu.memory_space<vmem>>, vector<1x16xf32>,
      %get3A_610 = vector.shape_cast %get3A_609 : vector<1x16xf32> to vector<16xf32>
      %get3A_611 = arith.index_cast %scan3A_20 : i32 to index
      %get3A_612 = arith.constant 672 : index
      %get3A_613 = tpu.vector_load %arg8[%get3A_611, %get3A_612] {strides = array<i32>} : memref<64x768xf32, #tpu.memory_space<vmem>>, vector<1x16xf32>,
      %get3A_614 = vector.shape_cast %get3A_613 : vector<1x16xf32> to vector<16xf32>
      %add3A_615 = arith.addf %get3A_610, %get3A_614 : vector<16xf32>
      %swap3A_616 = arith.index_cast %scan3A_20 : i32 to index
      %swap3A_617 = arith.constant 672 : index
      %swap3A_618 = tpu.vector_load %arg7[%swap3A_616, %swap3A_617] {strides = array<i32>} : memref<64x768xf32, #tpu.memory_space<vmem>>, vector<1x16xf32>,
      %swap3A_619 = vector.shape_cast %swap3A_618 : vector<1x16xf32> to vector<16xf32>
      %swap3A_620 = vector.shape_cast %add3A_615 : vector<16xf32> to vector<1x16xf32>
      tpu.vector_store %arg7[%swap3A_616, %swap3A_617], %swap3A_620 {strides = array<i32>} : memref<64x768xf32, #tpu.memory_space<vmem>>, vector<1x16xf32>,
      %get3A_621 = arith.index_cast %scan3A_20 : i32 to index
      %get3A_622 = arith.constant 688 : index
      %get3A_623 = tpu.vector_load %arg7[%get3A_621, %get3A_622] {strides = array<i32>} : memref<64x768xf32, #tpu.memory_space<vmem>>, vector<1x16xf32>,
      %get3A_624 = vector.shape_cast %get3A_623 : vector<1x16xf32> to vector<16xf32>
      %get3A_625 = arith.index_cast %scan3A_20 : i32 to index
      %get3A_626 = arith.constant 688 : index
      %get3A_627 = tpu.vector_load %arg8[%get3A_625, %get3A_626] {strides = array<i32>} : memref<64x768xf32, #tpu.memory_space<vmem>>, vector<1x16xf32>,
      %get3A_628 = vector.shape_cast %get3A_627 : vector<1x16xf32> to vector<16xf32>
      %add3A_629 = arith.addf %get3A_624, %get3A_628 : vector<16xf32>
      %swap3A_630 = arith.index_cast %scan3A_20 : i32 to index
      %swap3A_631 = arith.constant 688 : index
      %swap3A_632 = tpu.vector_load %arg7[%swap3A_630, %swap3A_631] {strides = array<i32>} : memref<64x768xf32, #tpu.memory_space<vmem>>, vector<1x16xf32>,
      %swap3A_633 = vector.shape_cast %swap3A_632 : vector<1x16xf32> to vector<16xf32>
      %swap3A_634 = vector.shape_cast %add3A_629 : vector<16xf32> to vector<1x16xf32>
      tpu.vector_store %arg7[%swap3A_630, %swap3A_631], %swap3A_634 {strides = array<i32>} : memref<64x768xf32, #tpu.memory_space<vmem>>, vector<1x16xf32>,
      %get3A_635 = arith.index_cast %scan3A_20 : i32 to index
      %get3A_636 = arith.constant 704 : index
      %get3A_637 = tpu.vector_load %arg7[%get3A_635, %get3A_636] {strides = array<i32>} : memref<64x768xf32, #tpu.memory_space<vmem>>, vector<1x16xf32>,
      %get3A_638 = vector.shape_cast %get3A_637 : vector<1x16xf32> to vector<16xf32>
      %get3A_639 = arith.index_cast %scan3A_20 : i32 to index
      %get3A_640 = arith.constant 704 : index
      %get3A_641 = tpu.vector_load %arg8[%get3A_639, %get3A_640] {strides = array<i32>} : memref<64x768xf32, #tpu.memory_space<vmem>>, vector<1x16xf32>,
      %get3A_642 = vector.shape_cast %get3A_641 : vector<1x16xf32> to vector<16xf32>
      %add3A_643 = arith.addf %get3A_638, %get3A_642 : vector<16xf32>
      %swap3A_644 = arith.index_cast %scan3A_20 : i32 to index
      %swap3A_645 = arith.constant 704 : index
      %swap3A_646 = tpu.vector_load %arg7[%swap3A_644, %swap3A_645] {strides = array<i32>} : memref<64x768xf32, #tpu.memory_space<vmem>>, vector<1x16xf32>,
      %swap3A_647 = vector.shape_cast %swap3A_646 : vector<1x16xf32> to vector<16xf32>
      %swap3A_648 = vector.shape_cast %add3A_643 : vector<16xf32> to vector<1x16xf32>
      tpu.vector_store %arg7[%swap3A_644, %swap3A_645], %swap3A_648 {strides = array<i32>} : memref<64x768xf32, #tpu.memory_space<vmem>>, vector<1x16xf32>,
      %get3A_649 = arith.index_cast %scan3A_20 : i32 to index
      %get3A_650 = arith.constant 720 : index
      %get3A_651 = tpu.vector_load %arg7[%get3A_649, %get3A_650] {strides = array<i32>} : memref<64x768xf32, #tpu.memory_space<vmem>>, vector<1x16xf32>,
      %get3A_652 = vector.shape_cast %get3A_651 : vector<1x16xf32> to vector<16xf32>
      %get3A_653 = arith.index_cast %scan3A_20 : i32 to index
      %get3A_654 = arith.constant 720 : index
      %get3A_655 = tpu.vector_load %arg8[%get3A_653, %get3A_654] {strides = array<i32>} : memref<64x768xf32, #tpu.memory_space<vmem>>, vector<1x16xf32>,
      %get3A_656 = vector.shape_cast %get3A_655 : vector<1x16xf32> to vector<16xf32>
      %add3A_657 = arith.addf %get3A_652, %get3A_656 : vector<16xf32>
      %swap3A_658 = arith.index_cast %scan3A_20 : i32 to index
      %swap3A_659 = arith.constant 720 : index
      %swap3A_660 = tpu.vector_load %arg7[%swap3A_658, %swap3A_659] {strides = array<i32>} : memref<64x768xf32, #tpu.memory_space<vmem>>, vector<1x16xf32>,
      %swap3A_661 = vector.shape_cast %swap3A_660 : vector<1x16xf32> to vector<16xf32>
      %swap3A_662 = vector.shape_cast %add3A_657 : vector<16xf32> to vector<1x16xf32>
      tpu.vector_store %arg7[%swap3A_658, %swap3A_659], %swap3A_662 {strides = array<i32>} : memref<64x768xf32, #tpu.memory_space<vmem>>, vector<1x16xf32>,
      %get3A_663 = arith.index_cast %scan3A_20 : i32 to index
      %get3A_664 = arith.constant 736 : index
      %get3A_665 = tpu.vector_load %arg7[%get3A_663, %get3A_664] {strides = array<i32>} : memref<64x768xf32, #tpu.memory_space<vmem>>, vector<1x16xf32>,
      %get3A_666 = vector.shape_cast %get3A_665 : vector<1x16xf32> to vector<16xf32>
      %get3A_667 = arith.index_cast %scan3A_20 : i32 to index
      %get3A_668 = arith.constant 736 : index
      %get3A_669 = tpu.vector_load %arg8[%get3A_667, %get3A_668] {strides = array<i32>} : memref<64x768xf32, #tpu.memory_space<vmem>>, vector<1x16xf32>,
      %get3A_670 = vector.shape_cast %get3A_669 : vector<1x16xf32> to vector<16xf32>
      %add3A_671 = arith.addf %get3A_666, %get3A_670 : vector<16xf32>
      %swap3A_672 = arith.index_cast %scan3A_20 : i32 to index
      %swap3A_673 = arith.constant 736 : index
      %swap3A_674 = tpu.vector_load %arg7[%swap3A_672, %swap3A_673] {strides = array<i32>} : memref<64x768xf32, #tpu.memory_space<vmem>>, vector<1x16xf32>,
      %swap3A_675 = vector.shape_cast %swap3A_674 : vector<1x16xf32> to vector<16xf32>
      %swap3A_676 = vector.shape_cast %add3A_671 : vector<16xf32> to vector<1x16xf32>
      tpu.vector_store %arg7[%swap3A_672, %swap3A_673], %swap3A_676 {strides = array<i32>} : memref<64x768xf32, #tpu.memory_space<vmem>>, vector<1x16xf32>,
      %get3A_677 = arith.index_cast %scan3A_20 : i32 to index
      %get3A_678 = arith.constant 752 : index
      %get3A_679 = tpu.vector_load %arg7[%get3A_677, %get3A_678] {strides = array<i32>} : memref<64x768xf32, #tpu.memory_space<vmem>>, vector<1x16xf32>,
      %get3A_680 = vector.shape_cast %get3A_679 : vector<1x16xf32> to vector<16xf32>
      %get3A_681 = arith.index_cast %scan3A_20 : i32 to index
      %get3A_682 = arith.constant 752 : index
      %get3A_683 = tpu.vector_load %arg8[%get3A_681, %get3A_682] {strides = array<i32>} : memref<64x768xf32, #tpu.memory_space<vmem>>, vector<1x16xf32>,
      %get3A_684 = vector.shape_cast %get3A_683 : vector<1x16xf32> to vector<16xf32>
      %add3A_685 = arith.addf %get3A_680, %get3A_684 : vector<16xf32>
      %swap3A_686 = arith.index_cast %scan3A_20 : i32 to index
      %swap3A_687 = arith.constant 752 : index
      %swap3A_688 = tpu.vector_load %arg7[%swap3A_686, %swap3A_687] {strides = array<i32>} : memref<64x768xf32, #tpu.memory_space<vmem>>, vector<1x16xf32>,
      %swap3A_689 = vector.shape_cast %swap3A_688 : vector<1x16xf32> to vector<16xf32>
      %swap3A_690 = vector.shape_cast %add3A_685 : vector<16xf32> to vector<1x16xf32>
      tpu.vector_store %arg7[%swap3A_686, %swap3A_687], %swap3A_690 {strides = array<i32>} : memref<64x768xf32, #tpu.memory_space<vmem>>, vector<1x16xf32>,
    }
    %scan3A_19 = arith.constant 64 : i32
    "tpu.region"() ({
      %run_scoped3A = tpu.sem_alloc : memref<!tpu.dma_semaphore, #tpu.memory_space<semaphore_mem>>
      %dma_start3A_20 = arith.constant 0 : i32
      %dma_start3A_21 = tpu.memref_slice %arg4[%mul3A_2, %dma_start3A_20] : memref<2048x768xf32, #tpu.memory_space<hbm>> -> memref<64x768xf32, #tpu.memory_space<hbm>>
      %dma_start3A_22 = arith.constant 0 : i32
      %dma_start3A_23 = tpu.memref_slice %arg4[%mul3A_2, %dma_start3A_22] : memref<2048x768xf32, #tpu.memory_space<hbm>> -> memref<64x768xf32, #tpu.memory_space<hbm>>
      tpu.enqueue_dma source(%arg7 : memref<64x768xf32, #tpu.memory_space<vmem>>) target(%dma_start3A_23 : memref<64x768xf32, #tpu.memory_space<hbm>>) target_semaphore(%run_scoped3A : memref<!tpu.dma_semaphore, #tpu.memory_space<semaphore_mem>>)
      %dma_wait3A_24 = arith.constant 0 : i32
      %dma_wait3A_25 = tpu.memref_slice %arg4[%mul3A_2, %dma_wait3A_24] : memref<2048x768xf32, #tpu.memory_space<hbm>> -> memref<64x768xf32, #tpu.memory_space<hbm>>
      %dma_wait3A_26 = arith.constant 0 : i32
      %dma_wait3A_27 = tpu.memref_slice %arg4[%mul3A_2, %dma_wait3A_26] : memref<2048x768xf32, #tpu.memory_space<hbm>> -> memref<64x768xf32, #tpu.memory_space<hbm>>
      tpu.wait_dma2 semaphore(%run_scoped3A : memref<!tpu.dma_semaphore, #tpu.memory_space<semaphore_mem>>) src(%arg7 : memref<64x768xf32, #tpu.memory_space<vmem>>) dst(%dma_wait3A_27 : memref<64x768xf32, #tpu.memory_space<hbm>>)
      tpu.yield
    }) : () -> ()
    return
  }
}

#map = affine_map<(d0, d1) -> (0, 0)>
#map1 = affine_map<(d0, d1) -> (0)>
module attributes {stable_mosaic.version = 14 : i64} {
  func.func @_dispatch(%arg0: i32, %arg1: i32, %arg2: memref<2048x768xf32, #tpu.memory_space<hbm>>, %arg3: memref<4096xi32, #tpu.memory_space<hbm>>, %arg4: memref<4096xf32, #tpu.memory_space<hbm>>, %arg5: memref<5120x768xf32, #tpu.memory_space<hbm>>, %arg6: memref<5120xf32, #tpu.memory_space<hbm>>, %arg7: memref<128xi32, #tpu.memory_space<vmem>>, %arg8: memref<128x768xf32, #tpu.memory_space<vmem>>, %arg9: memref<128xf32, #tpu.memory_space<vmem>>, %arg10: memref<!tpu.dma_semaphore, #tpu.memory_space<semaphore_mem>>, %arg11: memref<!tpu.dma_semaphore, #tpu.memory_space<semaphore_mem>>) attributes {dimension_semantics = [#tpu.dimension_semantics<core_parallel>, #tpu.dimension_semantics<subcore_parallel>], iteration_bounds = array<i64: 2, 16>, scalar_prefetch = 0 : i64, scratch_operands = 5 : i64, tpu.core_type = #tpu.core_type<sc_vector_subcore>, window_params = [{transform_indices = #map}, {transform_indices = #map1}, {transform_indices = #map1}, {transform_indices = #map}, {transform_indices = #map1}]} {
    %mul3A = arith.constant 2 : i32
    %mul3A_0 = arith.muli %arg1, %mul3A : i32
    %add3A = arith.addi %mul3A_0, %arg0 : i32
    %mul3A_1 = arith.constant 128 : i32
    %mul3A_2 = arith.muli %add3A, %mul3A_1 : i32
    %rem3A = arith.constant 2048 : i32
    %rem3A_3 = arith.remsi %mul3A_2, %rem3A : i32
    "tpu.region"() ({
      %run_scoped3A = tpu.sem_alloc : memref<!tpu.dma_semaphore, #tpu.memory_space<semaphore_mem>>
      %dma_start3A_12 = tpu.memref_slice %arg3[%mul3A_2] : memref<4096xi32, #tpu.memory_space<hbm>> -> memref<128xi32, #tpu.memory_space<hbm>>
      %dma_start3A_13 = tpu.memref_slice %arg3[%mul3A_2] : memref<4096xi32, #tpu.memory_space<hbm>> -> memref<128xi32, #tpu.memory_space<hbm>>
      tpu.enqueue_dma source(%dma_start3A_13 : memref<128xi32, #tpu.memory_space<hbm>>) target(%arg7 : memref<128xi32, #tpu.memory_space<vmem>>) target_semaphore(%run_scoped3A : memref<!tpu.dma_semaphore, #tpu.memory_space<semaphore_mem>>)
      %dma_wait3A_14 = tpu.memref_slice %arg3[%mul3A_2] : memref<4096xi32, #tpu.memory_space<hbm>> -> memref<128xi32, #tpu.memory_space<hbm>>
      %dma_wait3A_15 = tpu.memref_slice %arg3[%mul3A_2] : memref<4096xi32, #tpu.memory_space<hbm>> -> memref<128xi32, #tpu.memory_space<hbm>>
      tpu.wait_dma2 semaphore(%run_scoped3A : memref<!tpu.dma_semaphore, #tpu.memory_space<semaphore_mem>>) src(%dma_wait3A_15 : memref<128xi32, #tpu.memory_space<hbm>>) dst(%arg7 : memref<128xi32, #tpu.memory_space<vmem>>)
      tpu.yield
    }) : () -> ()
    "tpu.region"() ({
      %run_scoped3A = tpu.sem_alloc : memref<!tpu.dma_semaphore, #tpu.memory_space<semaphore_mem>>
      %dma_start3A_12 = tpu.memref_slice %arg4[%mul3A_2] : memref<4096xf32, #tpu.memory_space<hbm>> -> memref<128xf32, #tpu.memory_space<hbm>>
      %dma_start3A_13 = tpu.memref_slice %arg4[%mul3A_2] : memref<4096xf32, #tpu.memory_space<hbm>> -> memref<128xf32, #tpu.memory_space<hbm>>
      tpu.enqueue_dma source(%dma_start3A_13 : memref<128xf32, #tpu.memory_space<hbm>>) target(%arg9 : memref<128xf32, #tpu.memory_space<vmem>>) target_semaphore(%run_scoped3A : memref<!tpu.dma_semaphore, #tpu.memory_space<semaphore_mem>>)
      %dma_wait3A_14 = tpu.memref_slice %arg4[%mul3A_2] : memref<4096xf32, #tpu.memory_space<hbm>> -> memref<128xf32, #tpu.memory_space<hbm>>
      %dma_wait3A_15 = tpu.memref_slice %arg4[%mul3A_2] : memref<4096xf32, #tpu.memory_space<hbm>> -> memref<128xf32, #tpu.memory_space<hbm>>
      tpu.wait_dma2 semaphore(%run_scoped3A : memref<!tpu.dma_semaphore, #tpu.memory_space<semaphore_mem>>) src(%dma_wait3A_15 : memref<128xf32, #tpu.memory_space<hbm>>) dst(%arg9 : memref<128xf32, #tpu.memory_space<vmem>>)
      tpu.yield
    }) : () -> ()
    "tpu.region"() ({
      %run_scoped3A = tpu.sem_alloc : memref<!tpu.dma_semaphore, #tpu.memory_space<semaphore_mem>>
      %dma_start3A_12 = arith.constant 0 : i32
      %dma_start3A_13 = tpu.memref_slice %arg2[%rem3A_3, %dma_start3A_12] : memref<2048x768xf32, #tpu.memory_space<hbm>> -> memref<128x768xf32, #tpu.memory_space<hbm>>
      %dma_start3A_14 = arith.constant 0 : i32
      %dma_start3A_15 = tpu.memref_slice %arg2[%rem3A_3, %dma_start3A_14] : memref<2048x768xf32, #tpu.memory_space<hbm>> -> memref<128x768xf32, #tpu.memory_space<hbm>>
      tpu.enqueue_dma source(%dma_start3A_15 : memref<128x768xf32, #tpu.memory_space<hbm>>) target(%arg8 : memref<128x768xf32, #tpu.memory_space<vmem>>) target_semaphore(%run_scoped3A : memref<!tpu.dma_semaphore, #tpu.memory_space<semaphore_mem>>)
      %dma_wait3A_16 = arith.constant 0 : i32
      %dma_wait3A_17 = tpu.memref_slice %arg2[%rem3A_3, %dma_wait3A_16] : memref<2048x768xf32, #tpu.memory_space<hbm>> -> memref<128x768xf32, #tpu.memory_space<hbm>>
      %dma_wait3A_18 = arith.constant 0 : i32
      %dma_wait3A_19 = tpu.memref_slice %arg2[%rem3A_3, %dma_wait3A_18] : memref<2048x768xf32, #tpu.memory_space<hbm>> -> memref<128x768xf32, #tpu.memory_space<hbm>>
      tpu.wait_dma2 semaphore(%run_scoped3A : memref<!tpu.dma_semaphore, #tpu.memory_space<semaphore_mem>>) src(%dma_wait3A_19 : memref<128x768xf32, #tpu.memory_space<hbm>>) dst(%arg8 : memref<128x768xf32, #tpu.memory_space<vmem>>)
      tpu.yield
    }) : () -> ()
    %dma_start3A = arith.constant 0 : i32
    %dma_start3A_4 = arith.constant 0 : i32
    %dma_start3A_5 = tpu.memref_slice %arg5[%dma_start3A, %dma_start3A_4] : memref<5120x768xf32, #tpu.memory_space<hbm>> -> memref<5120x768xf32, #tpu.memory_space<hbm>>
    tpu.enqueue_indirect_dma source(%arg8 : memref<128x768xf32, #tpu.memory_space<vmem>>) target(%dma_start3A_5 : memref<5120x768xf32, #tpu.memory_space<hbm>>) offsets(%arg7 : memref<128xi32, #tpu.memory_space<vmem>>) semaphore(%arg10 : memref<!tpu.dma_semaphore, #tpu.memory_space<semaphore_mem>>)
    %dma_start3A_6 = arith.constant 0 : i32
    %dma_start3A_7 = tpu.memref_slice %arg6[%dma_start3A_6] : memref<5120xf32, #tpu.memory_space<hbm>> -> memref<5120xf32, #tpu.memory_space<hbm>>
    tpu.enqueue_indirect_dma source(%arg9 : memref<128xf32, #tpu.memory_space<vmem>>) target(%dma_start3A_7 : memref<5120xf32, #tpu.memory_space<hbm>>) offsets(%arg7 : memref<128xi32, #tpu.memory_space<vmem>>) semaphore(%arg11 : memref<!tpu.dma_semaphore, #tpu.memory_space<semaphore_mem>>)
    %dma_wait3A = arith.constant 0 : i32
    %dma_wait3A_8 = arith.constant 0 : i32
    %dma_wait3A_9 = tpu.memref_slice %arg5[%dma_wait3A, %dma_wait3A_8] : memref<5120x768xf32, #tpu.memory_space<hbm>> -> memref<5120x768xf32, #tpu.memory_space<hbm>>
    tpu.wait_indirect_dma semaphore(%arg10 : memref<!tpu.dma_semaphore, #tpu.memory_space<semaphore_mem>>) src(%arg8 : memref<128x768xf32, #tpu.memory_space<vmem>>) dst(%dma_wait3A_9 : memref<5120x768xf32, #tpu.memory_space<hbm>>)
    %dma_wait3A_10 = arith.constant 0 : i32
    %dma_wait3A_11 = tpu.memref_slice %arg6[%dma_wait3A_10] : memref<5120xf32, #tpu.memory_space<hbm>> -> memref<5120xf32, #tpu.memory_space<hbm>>
    tpu.wait_indirect_dma semaphore(%arg11 : memref<!tpu.dma_semaphore, #tpu.memory_space<semaphore_mem>>) src(%arg9 : memref<128xf32, #tpu.memory_space<vmem>>) dst(%dma_wait3A_11 : memref<5120xf32, #tpu.memory_space<hbm>>)
    return
  }
}

module attributes {stable_mosaic.version = 14 : i64} {
  func.func @_router_body(%arg0: memref<2048x768xf32, #tpu.memory_space<vmem>>, %arg1: memref<768x8xf32, #tpu.memory_space<vmem>>, %arg2: memref<1x8xf32, #tpu.memory_space<vmem>>, %arg3: memref<4096x1xi32, #tpu.memory_space<vmem>>, %arg4: memref<4096x1xf32, #tpu.memory_space<vmem>>, %arg5: memref<40x1xi32, #tpu.memory_space<vmem>>, %arg6: memref<40x1xi32, #tpu.memory_space<vmem>>, %arg7: memref<4096x8xf32, #tpu.memory_space<vmem>>, %arg8: memref<4096x8xf32, #tpu.memory_space<vmem>>) attributes {dimension_semantics = [], scalar_prefetch = 0 : i64, scratch_operands = 2 : i64, tpu.core_type = #tpu.core_type<tc>} {
    %get3A = arith.constant 0 : index
    %get3A_0 = arith.constant 0 : index
    %get3A_1 = vector.load %arg0[%get3A, %get3A_0] : memref<2048x768xf32, #tpu.memory_space<vmem>>, vector<2048x768xf32>
    %get3A_2 = arith.constant 0 : index
    %get3A_3 = arith.constant 0 : index
    %get3A_4 = vector.load %arg1[%get3A_2, %get3A_3] : memref<768x8xf32, #tpu.memory_space<vmem>>, vector<768x8xf32>
    %dot_general3A = arith.constant dense<0.000000e+00> : vector<2048x8xf32>
    %dot_general3A_5 = tpu.matmul %get3A_1, %get3A_4, %dot_general3A {dimension_numbers = #tpu.dot_dimension_numbers<[1], [0], [0], [1], [0, 0, 1, 1], [], []>, transpose_lhs_hint = false} : vector<2048x768xf32>, vector<768x8xf32>, vector<2048x8xf32> -> vector<2048x8xf32>
    %get3A_6 = arith.constant 0 : index
    %get3A_7 = arith.constant 0 : index
    %get3A_8 = vector.load %arg2[%get3A_6, %get3A_7] : memref<1x8xf32, #tpu.memory_space<vmem>>, vector<1x8xf32>
    %add3A = vector.broadcast %get3A_8 : vector<1x8xf32> to vector<2048x8xf32>
    %add3A_9 = arith.addf %dot_general3A_5, %add3A : vector<2048x8xf32>
    %reduce_max3A = arith.constant dense<0xFF800000> : vector<2048xf32>
    %reduce_max3A_10 = vector.multi_reduction <maximumf>, %add3A_9, %reduce_max3A [1] : vector<2048x8xf32> to vector<2048xf32>
    %max3A = arith.constant 0xFF800000 : f32
    %max3A_11 = vector.broadcast %max3A : f32 to vector<2048xf32>
    %max3A_12 = arith.maximumf %max3A_11, %reduce_max3A_10 : vector<2048xf32>
    %broadcast_in_dim3A = vector.shape_cast %max3A_12 : vector<2048xf32> to vector<2048x1xf32>
    %sub3A = vector.broadcast %broadcast_in_dim3A : vector<2048x1xf32> to vector<2048x8xf32>
    %sub3A_13 = arith.subf %add3A_9, %sub3A : vector<2048x8xf32>
    %exp3A = math.exp %sub3A_13 : vector<2048x8xf32>
    %reduce_sum3A = arith.constant dense<0.000000e+00> : vector<2048xf32>
    %reduce_sum3A_14 = vector.multi_reduction <add>, %exp3A, %reduce_sum3A [1] : vector<2048x8xf32> to vector<2048xf32>
    %broadcast_in_dim3A_15 = vector.shape_cast %reduce_sum3A_14 : vector<2048xf32> to vector<2048x1xf32>
    %div3A = vector.broadcast %broadcast_in_dim3A_15 : vector<2048x1xf32> to vector<2048x8xf32>
    %div3A_16 = arith.divf %exp3A, %div3A : vector<2048x8xf32>
    %iota3A = tpu.iota {dimensions = array<i32: 1>} : vector<2048x8xi32>
    %reduce_max3A_17 = arith.constant dense<0xFF800000> : vector<2048xf32>
    %reduce_max3A_18 = vector.multi_reduction <maximumf>, %div3A_16, %reduce_max3A_17 [1] : vector<2048x8xf32> to vector<2048xf32>
    %broadcast_in_dim3A_19 = vector.shape_cast %reduce_max3A_18 : vector<2048xf32> to vector<2048x1xf32>
    %argmax3A = tpu.reduce_index %div3A_16 {axis = 1 : i32, kind = #tpu.reduction_kind<arg_max>} : vector<2048x8xf32> -> vector<2048xi32>
    %broadcast_in_dim3A_20 = vector.shape_cast %argmax3A : vector<2048xi32> to vector<2048x1xi32>
    %eq3A = vector.broadcast %broadcast_in_dim3A_20 : vector<2048x1xi32> to vector<2048x8xi32>
    %eq3A_21 = arith.cmpi eq, %iota3A, %eq3A : vector<2048x8xi32>
    %jit3A = arith.constant 0xFF800000 : f32
    %broadcast_in_dim3A_22 = vector.broadcast %jit3A : f32 to vector<2048x8xf32>
    %select_n3A = arith.select %eq3A_21, %broadcast_in_dim3A_22, %div3A_16 : vector<2048x8xi1>, vector<2048x8xf32>
    %reduce_max3A_23 = arith.constant dense<0xFF800000> : vector<2048xf32>
    %reduce_max3A_24 = vector.multi_reduction <maximumf>, %select_n3A, %reduce_max3A_23 [1] : vector<2048x8xf32> to vector<2048xf32>
    %broadcast_in_dim3A_25 = vector.shape_cast %reduce_max3A_24 : vector<2048xf32> to vector<2048x1xf32>
    %argmax3A_26 = tpu.reduce_index %select_n3A {axis = 1 : i32, kind = #tpu.reduction_kind<arg_max>} : vector<2048x8xf32> -> vector<2048xi32>
    %broadcast_in_dim3A_27 = vector.shape_cast %argmax3A_26 : vector<2048xi32> to vector<2048x1xi32>
    %sub3A_28 = arith.subf %broadcast_in_dim3A_25, %broadcast_in_dim3A_19 : vector<2048x1xf32>
    %exp3A_29 = math.exp %sub3A_28 : vector<2048x1xf32>
    %add3A_30 = arith.constant 1.000000e+00 : f32
    %add3A_31 = vector.broadcast %add3A_30 : f32 to vector<2048x1xf32>
    %add3A_32 = arith.addf %add3A_31, %exp3A_29 : vector<2048x1xf32>
    %div3A_33 = arith.constant 1.000000e+00 : f32
    %div3A_34 = vector.broadcast %div3A_33 : f32 to vector<2048x1xf32>
    %div3A_35 = arith.divf %div3A_34, %add3A_32 : vector<2048x1xf32>
    %swap3A = arith.constant 0 : index
    %swap3A_36 = arith.constant 0 : index
    %swap3A_37 = vector.load %arg4[%swap3A, %swap3A_36] : memref<4096x1xf32, #tpu.memory_space<vmem>>, vector<2048x1xf32>
    tpu.vector_store %arg4[%swap3A, %swap3A_36], %div3A_35 {strides = array<i32>} : memref<4096x1xf32, #tpu.memory_space<vmem>>, vector<2048x1xf32>,
    %sub3A_38 = arith.constant 1.000000e+00 : f32
    %sub3A_39 = vector.broadcast %sub3A_38 : f32 to vector<2048x1xf32>
    %sub3A_40 = arith.subf %sub3A_39, %div3A_35 : vector<2048x1xf32>
    %swap3A_41 = arith.constant 2048 : index
    %swap3A_42 = arith.constant 0 : index
    %swap3A_43 = vector.load %arg4[%swap3A_41, %swap3A_42] : memref<4096x1xf32, #tpu.memory_space<vmem>>, vector<2048x1xf32>
    tpu.vector_store %arg4[%swap3A_41, %swap3A_42], %sub3A_40 {strides = array<i32>} : memref<4096x1xf32, #tpu.memory_space<vmem>>, vector<2048x1xf32>,
    %eq3A_44 = vector.broadcast %broadcast_in_dim3A_20 : vector<2048x1xi32> to vector<2048x8xi32>
    %eq3A_45 = arith.cmpi eq, %iota3A, %eq3A_44 : vector<2048x8xi32>
    %convert_element_type3A = arith.extui %eq3A_45 : vector<2048x8xi1> to vector<2048x8xi32>
    %convert_element_type3A_46 = arith.sitofp %convert_element_type3A : vector<2048x8xi32> to vector<2048x8xf32>
    %swap3A_47 = arith.constant 0 : index
    %swap3A_48 = arith.constant 0 : index
    %swap3A_49 = vector.load %arg7[%swap3A_47, %swap3A_48] : memref<4096x8xf32, #tpu.memory_space<vmem>>, vector<2048x8xf32>
    tpu.vector_store %arg7[%swap3A_47, %swap3A_48], %convert_element_type3A_46 {strides = array<i32>} : memref<4096x8xf32, #tpu.memory_space<vmem>>, vector<2048x8xf32>,
    %eq3A_50 = vector.broadcast %broadcast_in_dim3A_27 : vector<2048x1xi32> to vector<2048x8xi32>
    %eq3A_51 = arith.cmpi eq, %iota3A, %eq3A_50 : vector<2048x8xi32>
    %convert_element_type3A_52 = arith.extui %eq3A_51 : vector<2048x8xi1> to vector<2048x8xi32>
    %convert_element_type3A_53 = arith.sitofp %convert_element_type3A_52 : vector<2048x8xi32> to vector<2048x8xf32>
    %swap3A_54 = arith.constant 2048 : index
    %swap3A_55 = arith.constant 0 : index
    %swap3A_56 = vector.load %arg7[%swap3A_54, %swap3A_55] : memref<4096x8xf32, #tpu.memory_space<vmem>>, vector<2048x8xf32>
    tpu.vector_store %arg7[%swap3A_54, %swap3A_55], %convert_element_type3A_53 {strides = array<i32>} : memref<4096x8xf32, #tpu.memory_space<vmem>>, vector<2048x8xf32>,
    %iota3A_57 = tpu.iota {dimensions = array<i32: 1>} : vector<128x128xi32>
    %iota3A_58 = tpu.iota {dimensions = array<i32: 0>} : vector<128x128xi32>
    %gt3A = arith.cmpi sgt, %iota3A_58, %iota3A_57 : vector<128x128xi32>
    %convert_element_type3A_59 = arith.extui %gt3A : vector<128x128xi1> to vector<128x128xi32>
    %convert_element_type3A_60 = arith.sitofp %convert_element_type3A_59 : vector<128x128xi32> to vector<128x128xf32>
    %broadcast_in_dim3A_61 = arith.constant 0.000000e+00 : f32
    %broadcast_in_dim3A_62 = vector.broadcast %broadcast_in_dim3A_61 : f32 to vector<1x8xf32>
    %scan3A = arith.constant 0 : i32
    %scan3A_63 = arith.constant 32 : i32
    %scan3A_64 = arith.addi %scan3A, %scan3A_63 : i32
    %scan3A_65 = arith.constant 1 : i32
    %scan3A_66 = scf.for %scan3A_154 = %scan3A to %scan3A_64 step %scan3A_65 iter_args(%scan3A_155 = %broadcast_in_dim3A_62) -> (vector<1x8xf32>)  : i32 {
      %mul3A_156 = arith.constant 128 : i32
      %mul3A_157 = arith.muli %scan3A_154, %mul3A_156 : i32
      %get3A_158 = arith.index_cast %mul3A_157 : i32 to index
      %get3A_159 = arith.constant 0 : index
      %get3A_160 = vector.load %arg7[%get3A_158, %get3A_159] : memref<4096x8xf32, #tpu.memory_space<vmem>>, vector<128x8xf32>
      %dot_general3A_161 = arith.constant dense<0.000000e+00> : vector<128x8xf32>
      %dot_general3A_162 = tpu.matmul %convert_element_type3A_60, %get3A_160, %dot_general3A_161 {dimension_numbers = #tpu.dot_dimension_numbers<[1], [0], [0], [1], [0, 0, 1, 1], [], []>, transpose_lhs_hint = false} : vector<128x128xf32>, vector<128x8xf32>, vector<128x8xf32> -> vector<128x8xf32>
      %add3A_163 = vector.broadcast %scan3A_155 : vector<1x8xf32> to vector<128x8xf32>
      %add3A_164 = arith.addf %add3A_163, %dot_general3A_162 : vector<128x8xf32>
      %mul3A_165 = arith.constant 128 : i32
      %mul3A_166 = arith.muli %scan3A_154, %mul3A_165 : i32
      %swap3A_167 = arith.index_cast %mul3A_166 : i32 to index
      %swap3A_168 = arith.constant 0 : index
      %swap3A_169 = vector.load %arg8[%swap3A_167, %swap3A_168] : memref<4096x8xf32, #tpu.memory_space<vmem>>, vector<128x8xf32>
      tpu.vector_store %arg8[%swap3A_167, %swap3A_168], %add3A_164 {strides = array<i32>} : memref<4096x8xf32, #tpu.memory_space<vmem>>, vector<128x8xf32>,
      %reduce_sum3A_170 = arith.constant dense<0.000000e+00> : vector<8xf32>
      %reduce_sum3A_171 = vector.multi_reduction <add>, %get3A_160, %reduce_sum3A_170 [0] : vector<128x8xf32> to vector<8xf32>
      %broadcast_in_dim3A_172 = vector.shape_cast %reduce_sum3A_171 : vector<8xf32> to vector<1x8xf32>
      %add3A_173 = arith.addf %scan3A_155, %broadcast_in_dim3A_172 : vector<1x8xf32>
      scf.yield %add3A_173 : vector<1x8xf32>
    }
    %scan3A_67 = arith.constant 32 : i32
    %convert_element_type3A_68 = arith.fptosi %scan3A_66 : vector<1x8xf32> to vector<1x8xi32>
    %add3A_69 = arith.constant 128 : i32
    %add3A_70 = vector.broadcast %add3A_69 : i32 to vector<1x8xi32>
    %add3A_71 = arith.addi %convert_element_type3A_68, %add3A_70 : vector<1x8xi32>
    %sub3A_72 = arith.constant 1 : i32
    %sub3A_73 = vector.broadcast %sub3A_72 : i32 to vector<1x8xi32>
    %sub3A_74 = arith.subi %add3A_71, %sub3A_73 : vector<1x8xi32>
    %jit3A_75 = arith.constant 128 : i32
    %div3A_76 = vector.broadcast %jit3A_75 : i32 to vector<1x8xi32>
    %div3A_77 = arith.divsi %sub3A_74, %div3A_76 : vector<1x8xi32>
    %sign3A = arith.constant 0 : i32
    %sign3A_78 = vector.broadcast %sign3A : i32 to vector<1x8xi32>
    %sign3A_79 = arith.cmpi sgt, %sub3A_74, %sign3A_78 : vector<1x8xi32>
    %sign3A_80 = arith.extui %sign3A_79 : vector<1x8xi1> to vector<1x8xi32>
    %sign3A_81 = arith.constant 0 : i32
    %sign3A_82 = vector.broadcast %sign3A_81 : i32 to vector<1x8xi32>
    %sign3A_83 = arith.cmpi slt, %sub3A_74, %sign3A_82 : vector<1x8xi32>
    %sign3A_84 = arith.extui %sign3A_83 : vector<1x8xi1> to vector<1x8xi32>
    %sign3A_85 = arith.subi %sign3A_80, %sign3A_84 : vector<1x8xi32>
    %sign3A_86 = arith.constant 0 : i32
    %sign3A_87 = arith.cmpi sgt, %jit3A_75, %sign3A_86 : i32
    %sign3A_88 = arith.extui %sign3A_87 : i1 to i32
    %sign3A_89 = arith.constant 0 : i32
    %sign3A_90 = arith.cmpi slt, %jit3A_75, %sign3A_89 : i32
    %sign3A_91 = arith.extui %sign3A_90 : i1 to i32
    %sign3A_92 = arith.subi %sign3A_88, %sign3A_91 : i32
    %ne3A = vector.broadcast %sign3A_92 : i32 to vector<1x8xi32>
    %ne3A_93 = arith.cmpi ne, %sign3A_85, %ne3A : vector<1x8xi32>
    %rem3A = vector.broadcast %jit3A_75 : i32 to vector<1x8xi32>
    %rem3A_94 = arith.remsi %sub3A_74, %rem3A : vector<1x8xi32>
    %ne3A_95 = arith.constant 0 : i32
    %ne3A_96 = vector.broadcast %ne3A_95 : i32 to vector<1x8xi32>
    %ne3A_97 = arith.cmpi ne, %rem3A_94, %ne3A_96 : vector<1x8xi32>
    %and3A = arith.andi %ne3A_93, %ne3A_97 : vector<1x8xi1>
    %sub3A_98 = arith.constant 1 : i32
    %sub3A_99 = vector.broadcast %sub3A_98 : i32 to vector<1x8xi32>
    %sub3A_100 = arith.subi %div3A_77, %sub3A_99 : vector<1x8xi32>
    %select_n3A_101 = arith.select %and3A, %sub3A_100, %div3A_77 : vector<1x8xi1>, vector<1x8xi32>
    %mul3A = arith.constant 128 : i32
    %mul3A_102 = vector.broadcast %mul3A : i32 to vector<1x8xi32>
    %mul3A_103 = arith.muli %select_n3A_101, %mul3A_102 : vector<1x8xi32>
    %iota3A_104 = tpu.iota {dimensions = array<i32: 0>} : vector<8x8xi32>
    %iota3A_105 = tpu.iota {dimensions = array<i32: 1>} : vector<8x8xi32>
    %lt3A = arith.cmpi slt, %iota3A_104, %iota3A_105 : vector<8x8xi32>
    %convert_element_type3A_106 = arith.extui %lt3A : vector<8x8xi1> to vector<8x8xi32>
    %convert_element_type3A_107 = arith.sitofp %convert_element_type3A_106 : vector<8x8xi32> to vector<8x8xf32>
    %convert_element_type3A_108 = arith.sitofp %mul3A_103 : vector<1x8xi32> to vector<1x8xf32>
    %dot_general3A_109 = arith.constant dense<0.000000e+00> : vector<1x8xf32>
    %dot_general3A_110 = tpu.matmul %convert_element_type3A_108, %convert_element_type3A_107, %dot_general3A_109 {dimension_numbers = #tpu.dot_dimension_numbers<[1], [0], [0], [1], [0, 0, 1, 1], [], []>, transpose_lhs_hint = false} : vector<1x8xf32>, vector<8x8xf32>, vector<1x8xf32> -> vector<1x8xf32>
    %add3A_111 = arith.addf %dot_general3A_110, %convert_element_type3A_108 : vector<1x8xf32>
    %get3A_112 = arith.constant 0 : index
    %get3A_113 = arith.constant 0 : index
    %get3A_114 = vector.load %arg7[%get3A_112, %get3A_113] : memref<4096x8xf32, #tpu.memory_space<vmem>>, vector<4096x8xf32>
    %get3A_115 = arith.constant 0 : index
    %get3A_116 = arith.constant 0 : index
    %get3A_117 = vector.load %arg8[%get3A_115, %get3A_116] : memref<4096x8xf32, #tpu.memory_space<vmem>>, vector<4096x8xf32>
    %add3A_118 = vector.broadcast %dot_general3A_110 : vector<1x8xf32> to vector<4096x8xf32>
    %add3A_119 = arith.addf %get3A_117, %add3A_118 : vector<4096x8xf32>
    %mul3A_120 = arith.mulf %get3A_114, %add3A_119 : vector<4096x8xf32>
    %reduce_sum3A_121 = arith.constant dense<0.000000e+00> : vector<4096xf32>
    %reduce_sum3A_122 = vector.multi_reduction <add>, %mul3A_120, %reduce_sum3A_121 [1] : vector<4096x8xf32> to vector<4096xf32>
    %broadcast_in_dim3A_123 = vector.shape_cast %reduce_sum3A_122 : vector<4096xf32> to vector<4096x1xf32>
    %convert_element_type3A_124 = arith.fptosi %broadcast_in_dim3A_123 : vector<4096x1xf32> to vector<4096x1xi32>
    %swap3A_125 = arith.constant 0 : index
    %swap3A_126 = arith.constant 0 : index
    %swap3A_127 = vector.load %arg3[%swap3A_125, %swap3A_126] : memref<4096x1xi32, #tpu.memory_space<vmem>>, vector<4096x1xi32>
    tpu.vector_store %arg3[%swap3A_125, %swap3A_126], %convert_element_type3A_124 {strides = array<i32>} : memref<4096x1xi32, #tpu.memory_space<vmem>>, vector<4096x1xi32>,
    %iota3A_128 = tpu.iota {dimensions = array<i32: 0>} : vector<40x8xi32>
    %mul3A_129 = arith.constant 128 : i32
    %mul3A_130 = vector.broadcast %mul3A_129 : i32 to vector<40x8xi32>
    %mul3A_131 = arith.muli %iota3A_128, %mul3A_130 : vector<40x8xi32>
    %convert_element_type3A_132 = arith.sitofp %mul3A_131 : vector<40x8xi32> to vector<40x8xf32>
    %ge3A = vector.broadcast %add3A_111 : vector<1x8xf32> to vector<40x8xf32>
    %ge3A_133 = arith.cmpf oge, %convert_element_type3A_132, %ge3A : vector<40x8xf32>
    %convert_element_type3A_134 = arith.extui %ge3A_133 : vector<40x8xi1> to vector<40x8xi32>
    %reduce_sum3A_135 = arith.constant dense<0> : vector<40xi32>
    %reduce_sum3A_136 = vector.multi_reduction <add>, %convert_element_type3A_134, %reduce_sum3A_135 [1] : vector<40x8xi32> to vector<40xi32>
    %broadcast_in_dim3A_137 = vector.shape_cast %reduce_sum3A_136 : vector<40xi32> to vector<40x1xi32>
    %min3A = arith.constant 7 : i32
    %min3A_138 = vector.broadcast %min3A : i32 to vector<40x1xi32>
    %min3A_139 = arith.minsi %broadcast_in_dim3A_137, %min3A_138 : vector<40x1xi32>
    %swap3A_140 = arith.constant 0 : index
    %swap3A_141 = arith.constant 0 : index
    %swap3A_142 = vector.load %arg5[%swap3A_140, %swap3A_141] : memref<40x1xi32, #tpu.memory_space<vmem>>, vector<40x1xi32>
    tpu.vector_store %arg5[%swap3A_140, %swap3A_141], %min3A_139 {strides = array<i32>} : memref<40x1xi32, #tpu.memory_space<vmem>>, vector<40x1xi32>,
    %reduce_sum3A_143 = vector.shape_cast %convert_element_type3A_108 : vector<1x8xf32> to vector<1x1x8xf32>
    %reduce_sum3A_144 = arith.constant dense<0.000000e+00> : vector<1xf32>
    %reduce_sum3A_145 = vector.multi_reduction <add>, %reduce_sum3A_143, %reduce_sum3A_144 [1, 2] : vector<1x1x8xf32> to vector<1xf32>
    %reduce_sum3A_146 = vector.shape_cast %reduce_sum3A_145 : vector<1xf32> to vector<1x1x1xf32>
    %reduce_sum3A_147 = vector.extract %reduce_sum3A_146[0, 0, 0] : f32 from vector<1x1x1xf32>
    %slice3A = vector.extract_strided_slice %convert_element_type3A_132 {offsets = [0, 0], sizes = [40, 1], strides = [1, 1]} : vector<40x8xf32> to vector<40x1xf32>
    %lt3A_148 = vector.broadcast %reduce_sum3A_147 : f32 to vector<40x1xf32>
    %lt3A_149 = arith.cmpf olt, %slice3A, %lt3A_148 : vector<40x1xf32>
    %convert_element_type3A_150 = arith.extui %lt3A_149 : vector<40x1xi1> to vector<40x1xi32>
    %swap3A_151 = arith.constant 0 : index
    %swap3A_152 = arith.constant 0 : index
    %swap3A_153 = vector.load %arg6[%swap3A_151, %swap3A_152] : memref<40x1xi32, #tpu.memory_space<vmem>>, vector<40x1xi32>
    tpu.vector_store %arg6[%swap3A_151, %swap3A_152], %convert_element_type3A_150 {strides = array<i32>} : memref<40x1xi32, #tpu.memory_space<vmem>>, vector<40x1xi32>,
    return
  }
}

module attributes {stable_mosaic.version = 14 : i64} {
  func.func @_experts_body(%arg0: i32, %arg1: memref<40xi32, #tpu.memory_space<smem>>, %arg2: memref<40xi32, #tpu.memory_space<smem>>, %arg3: memref<128x768xf32, #tpu.memory_space<vmem>>, %arg4: memref<1x768x1536xf32, #tpu.memory_space<vmem>>, %arg5: memref<1x1x1536xf32, #tpu.memory_space<vmem>>, %arg6: memref<1x1536x768xf32, #tpu.memory_space<vmem>>, %arg7: memref<1x1x768xf32, #tpu.memory_space<vmem>>, %arg8: memref<128x1xf32, #tpu.memory_space<vmem>>, %arg9: memref<128x768xf32, #tpu.memory_space<vmem>>) attributes {dimension_semantics = [#tpu.dimension_semantics<arbitrary>], iteration_bounds = array<i64: 40>, scalar_prefetch = 2 : i64, scratch_operands = 0 : i64, tpu.core_type = #tpu.core_type<tc>, window_params = [{transform_indices = @transform_0, window_bounds = array<i64: 128, 768>}, {transform_indices = @transform_1, window_bounds = array<i64: 1, 768, 1536>}, {transform_indices = @transform_2, window_bounds = array<i64: 1, 1, 1536>}, {transform_indices = @transform_3, window_bounds = array<i64: 1, 1536, 768>}, {transform_indices = @transform_4, window_bounds = array<i64: 1, 1, 768>}, {transform_indices = @transform_5, window_bounds = array<i64: 128, 1>}, {transform_indices = @transform_6, window_bounds = array<i64: 128, 768>}]} {
    %get3A = arith.index_cast %arg0 : i32 to index
    %get3A_0 = memref.load %arg2[%get3A] : memref<40xi32, #tpu.memory_space<smem>>
    %eq3A = arith.constant 1 : i32
    %eq3A_1 = arith.cmpi eq, %get3A_0, %eq3A : i32
    %convert_element_type3A = arith.extui %eq3A_1 : i1 to i32
    %cond3A = arith.constant 0 : i32
    %cond3A_2 = arith.cmpi ne, %convert_element_type3A, %cond3A : i32
    scf.if %cond3A_2 {
      %get3A_3 = arith.constant 0 : index
      %get3A_4 = arith.constant 0 : index
      %get3A_5 = vector.load %arg3[%get3A_3, %get3A_4] : memref<128x768xf32, #tpu.memory_space<vmem>>, vector<128x768xf32>
      %get3A_6 = arith.constant 0 : index
      %get3A_7 = arith.constant 0 : index
      %get3A_8 = arith.constant 0 : index
      %get3A_9 = vector.load %arg4[%get3A_6, %get3A_7, %get3A_8] : memref<1x768x1536xf32, #tpu.memory_space<vmem>>, vector<1x768x1536xf32>
      %get3A_10 = vector.shape_cast %get3A_9 : vector<1x768x1536xf32> to vector<768x1536xf32>
      %dot_general3A = arith.constant dense<0.000000e+00> : vector<128x1536xf32>
      %dot_general3A_11 = tpu.matmul %get3A_5, %get3A_10, %dot_general3A {dimension_numbers = #tpu.dot_dimension_numbers<[1], [0], [0], [1], [0, 0, 1, 1], [], []>, transpose_lhs_hint = false} : vector<128x768xf32>, vector<768x1536xf32>, vector<128x1536xf32> -> vector<128x1536xf32>
      %get3A_12 = arith.constant 0 : index
      %get3A_13 = arith.constant 0 : index
      %get3A_14 = arith.constant 0 : index
      %get3A_15 = vector.load %arg5[%get3A_12, %get3A_13, %get3A_14] : memref<1x1x1536xf32, #tpu.memory_space<vmem>>, vector<1x1x1536xf32>
      %get3A_16 = vector.shape_cast %get3A_15 : vector<1x1x1536xf32> to vector<1x1536xf32>
      %add3A = vector.broadcast %get3A_16 : vector<1x1536xf32> to vector<128x1536xf32>
      %add3A_17 = arith.addf %dot_general3A_11, %add3A : vector<128x1536xf32>
      %mul3A = arith.constant 5.000000e-01 : f32
      %mul3A_18 = vector.broadcast %mul3A : f32 to vector<128x1536xf32>
      %mul3A_19 = arith.mulf %mul3A_18, %add3A_17 : vector<128x1536xf32>
      %mul3A_20 = arith.constant 0.707106769 : f32
      %mul3A_21 = vector.broadcast %mul3A_20 : f32 to vector<128x1536xf32>
      %mul3A_22 = arith.mulf %add3A_17, %mul3A_21 : vector<128x1536xf32>
      %sign3A = tpu.bitcast %mul3A_22 : vector<128x1536xf32> -> vector<128x1536xi32>
      %sign3A_23 = arith.constant -2147483648 : i32
      %sign3A_24 = vector.broadcast %sign3A_23 : i32 to vector<128x1536xi32>
      %sign3A_25 = arith.andi %sign3A, %sign3A_24 : vector<128x1536xi32>
      %sign3A_26 = arith.constant 1065353216 : i32
      %sign3A_27 = vector.broadcast %sign3A_26 : i32 to vector<128x1536xi32>
      %sign3A_28 = arith.ori %sign3A_27, %sign3A_25 : vector<128x1536xi32>
      %sign3A_29 = tpu.bitcast %sign3A_28 : vector<128x1536xi32> -> vector<128x1536xf32>
      %sign3A_30 = math.absf %mul3A_22 : vector<128x1536xf32>
      %sign3A_31 = arith.constant 0.000000e+00 : f32
      %sign3A_32 = vector.broadcast %sign3A_31 : f32 to vector<128x1536xf32>
      %sign3A_33 = arith.cmpf ogt, %sign3A_30, %sign3A_32 : vector<128x1536xf32>
      %sign3A_34 = arith.select %sign3A_33, %sign3A_29, %mul3A_22 : vector<128x1536xi1>, vector<128x1536xf32>
      %abs3A = math.absf %mul3A_22 : vector<128x1536xf32>
      %mul3A_35 = arith.constant 0.327591091 : f32
      %mul3A_36 = vector.broadcast %mul3A_35 : f32 to vector<128x1536xf32>
      %mul3A_37 = arith.mulf %mul3A_36, %abs3A : vector<128x1536xf32>
      %add3A_38 = arith.constant 1.000000e+00 : f32
      %add3A_39 = vector.broadcast %add3A_38 : f32 to vector<128x1536xf32>
      %add3A_40 = arith.addf %add3A_39, %mul3A_37 : vector<128x1536xf32>
      %div3A = arith.constant 1.000000e+00 : f32
      %div3A_41 = vector.broadcast %div3A : f32 to vector<128x1536xf32>
      %div3A_42 = arith.divf %div3A_41, %add3A_40 : vector<128x1536xf32>
      %mul3A_43 = arith.constant 1.06140542 : f32
      %mul3A_44 = vector.broadcast %mul3A_43 : f32 to vector<128x1536xf32>
      %mul3A_45 = arith.mulf %div3A_42, %mul3A_44 : vector<128x1536xf32>
      %add3A_46 = arith.constant -1.45315206 : f32
      %add3A_47 = vector.broadcast %add3A_46 : f32 to vector<128x1536xf32>
      %add3A_48 = arith.addf %add3A_47, %mul3A_45 : vector<128x1536xf32>
      %mul3A_49 = arith.mulf %div3A_42, %add3A_48 : vector<128x1536xf32>
      %add3A_50 = arith.constant 1.42141378 : f32
      %add3A_51 = vector.broadcast %add3A_50 : f32 to vector<128x1536xf32>
      %add3A_52 = arith.addf %add3A_51, %mul3A_49 : vector<128x1536xf32>
      %mul3A_53 = arith.mulf %div3A_42, %add3A_52 : vector<128x1536xf32>
      %add3A_54 = arith.constant -0.284496725 : f32
      %add3A_55 = vector.broadcast %add3A_54 : f32 to vector<128x1536xf32>
      %add3A_56 = arith.addf %add3A_55, %mul3A_53 : vector<128x1536xf32>
      %mul3A_57 = arith.mulf %div3A_42, %add3A_56 : vector<128x1536xf32>
      %add3A_58 = arith.constant 0.254829586 : f32
      %add3A_59 = vector.broadcast %add3A_58 : f32 to vector<128x1536xf32>
      %add3A_60 = arith.addf %add3A_59, %mul3A_57 : vector<128x1536xf32>
      %mul3A_61 = arith.mulf %div3A_42, %add3A_60 : vector<128x1536xf32>
      %neg3A = arith.constant 0.000000e+00 : f32
      %neg3A_62 = vector.broadcast %neg3A : f32 to vector<128x1536xf32>
      %neg3A_63 = arith.subf %neg3A_62, %abs3A : vector<128x1536xf32>
      %mul3A_64 = arith.mulf %neg3A_63, %abs3A : vector<128x1536xf32>
      %exp3A = math.exp %mul3A_64 : vector<128x1536xf32>
      %mul3A_65 = arith.mulf %mul3A_61, %exp3A : vector<128x1536xf32>
      %sub3A = arith.constant 1.000000e+00 : f32
      %sub3A_66 = vector.broadcast %sub3A : f32 to vector<128x1536xf32>
      %sub3A_67 = arith.subf %sub3A_66, %mul3A_65 : vector<128x1536xf32>
      %mul3A_68 = arith.mulf %sign3A_34, %sub3A_67 : vector<128x1536xf32>
      %add3A_69 = arith.constant 1.000000e+00 : f32
      %add3A_70 = vector.broadcast %add3A_69 : f32 to vector<128x1536xf32>
      %add3A_71 = arith.addf %add3A_70, %mul3A_68 : vector<128x1536xf32>
      %mul3A_72 = arith.mulf %mul3A_19, %add3A_71 : vector<128x1536xf32>
      %get3A_73 = arith.constant 0 : index
      %get3A_74 = arith.constant 0 : index
      %get3A_75 = arith.constant 0 : index
      %get3A_76 = vector.load %arg6[%get3A_73, %get3A_74, %get3A_75] : memref<1x1536x768xf32, #tpu.memory_space<vmem>>, vector<1x1536x768xf32>
      %get3A_77 = vector.shape_cast %get3A_76 : vector<1x1536x768xf32> to vector<1536x768xf32>
      %dot_general3A_78 = arith.constant dense<0.000000e+00> : vector<128x768xf32>
      %dot_general3A_79 = tpu.matmul %mul3A_72, %get3A_77, %dot_general3A_78 {dimension_numbers = #tpu.dot_dimension_numbers<[1], [0], [0], [1], [0, 0, 1, 1], [], []>, transpose_lhs_hint = false} : vector<128x1536xf32>, vector<1536x768xf32>, vector<128x768xf32> -> vector<128x768xf32>
      %get3A_80 = arith.constant 0 : index
      %get3A_81 = arith.constant 0 : index
      %get3A_82 = arith.constant 0 : index
      %get3A_83 = vector.load %arg7[%get3A_80, %get3A_81, %get3A_82] : memref<1x1x768xf32, #tpu.memory_space<vmem>>, vector<1x1x768xf32>
      %get3A_84 = vector.shape_cast %get3A_83 : vector<1x1x768xf32> to vector<1x768xf32>
      %add3A_85 = vector.broadcast %get3A_84 : vector<1x768xf32> to vector<128x768xf32>
      %add3A_86 = arith.addf %dot_general3A_79, %add3A_85 : vector<128x768xf32>
      %get3A_87 = arith.constant 0 : index
      %get3A_88 = arith.constant 0 : index
      %get3A_89 = vector.load %arg8[%get3A_87, %get3A_88] : memref<128x1xf32, #tpu.memory_space<vmem>>, vector<128x1xf32>
      %mul3A_90 = vector.broadcast %get3A_89 : vector<128x1xf32> to vector<128x768xf32>
      %mul3A_91 = arith.mulf %add3A_86, %mul3A_90 : vector<128x768xf32>
      %swap3A = arith.constant 0 : index
      %swap3A_92 = arith.constant 0 : index
      %swap3A_93 = vector.load %arg9[%swap3A, %swap3A_92] : memref<128x768xf32, #tpu.memory_space<vmem>>, vector<128x768xf32>
      tpu.vector_store %arg9[%swap3A, %swap3A_92], %mul3A_91 {strides = array<i32>} : memref<128x768xf32, #tpu.memory_space<vmem>>, vector<128x768xf32>,
    } else {
    }
    return
  }
  func.func @transform_0(%arg0: i32, %arg1: memref<40xi32, #tpu.memory_space<smem>>, %arg2: memref<40xi32, #tpu.memory_space<smem>>) -> (i32, i32) {
    %c0_i32 = arith.constant 0 : i32
    %c0_i32_0 = arith.constant 0 : i32
    return %arg0, %c0_i32 : i32, i32
  }
  func.func @transform_1(%arg0: i32, %arg1: memref<40xi32, #tpu.memory_space<smem>>, %arg2: memref<40xi32, #tpu.memory_space<smem>>) -> (i32, i32, i32) {
    %get3A = arith.index_cast %arg0 : i32 to index
    %get3A_0 = memref.load %arg1[%get3A] : memref<40xi32, #tpu.memory_space<smem>>
    %c0_i32 = arith.constant 0 : i32
    %c0_i32_1 = arith.constant 0 : i32
    %c0_i32_2 = arith.constant 0 : i32
    return %get3A_0, %c0_i32, %c0_i32_1 : i32, i32, i32
  }
  func.func @transform_2(%arg0: i32, %arg1: memref<40xi32, #tpu.memory_space<smem>>, %arg2: memref<40xi32, #tpu.memory_space<smem>>) -> (i32, i32, i32) {
    %get3A = arith.index_cast %arg0 : i32 to index
    %get3A_0 = memref.load %arg1[%get3A] : memref<40xi32, #tpu.memory_space<smem>>
    %c0_i32 = arith.constant 0 : i32
    %c0_i32_1 = arith.constant 0 : i32
    %c0_i32_2 = arith.constant 0 : i32
    return %get3A_0, %c0_i32, %c0_i32_1 : i32, i32, i32
  }
  func.func @transform_3(%arg0: i32, %arg1: memref<40xi32, #tpu.memory_space<smem>>, %arg2: memref<40xi32, #tpu.memory_space<smem>>) -> (i32, i32, i32) {
    %get3A = arith.index_cast %arg0 : i32 to index
    %get3A_0 = memref.load %arg1[%get3A] : memref<40xi32, #tpu.memory_space<smem>>
    %c0_i32 = arith.constant 0 : i32
    %c0_i32_1 = arith.constant 0 : i32
    %c0_i32_2 = arith.constant 0 : i32
    return %get3A_0, %c0_i32, %c0_i32_1 : i32, i32, i32
  }
  func.func @transform_4(%arg0: i32, %arg1: memref<40xi32, #tpu.memory_space<smem>>, %arg2: memref<40xi32, #tpu.memory_space<smem>>) -> (i32, i32, i32) {
    %get3A = arith.index_cast %arg0 : i32 to index
    %get3A_0 = memref.load %arg1[%get3A] : memref<40xi32, #tpu.memory_space<smem>>
    %c0_i32 = arith.constant 0 : i32
    %c0_i32_1 = arith.constant 0 : i32
    %c0_i32_2 = arith.constant 0 : i32
    return %get3A_0, %c0_i32, %c0_i32_1 : i32, i32, i32
  }
  func.func @transform_5(%arg0: i32, %arg1: memref<40xi32, #tpu.memory_space<smem>>, %arg2: memref<40xi32, #tpu.memory_space<smem>>) -> (i32, i32) {
    %c0_i32 = arith.constant 0 : i32
    %c0_i32_0 = arith.constant 0 : i32
    return %arg0, %c0_i32 : i32, i32
  }
  func.func @transform_6(%arg0: i32, %arg1: memref<40xi32, #tpu.memory_space<smem>>, %arg2: memref<40xi32, #tpu.memory_space<smem>>) -> (i32, i32) {
    %c0_i32 = arith.constant 0 : i32
    %c0_i32_0 = arith.constant 0 : i32
    return %arg0, %c0_i32 : i32, i32
  }
}

</mosaic_0001>

<sc_bundles>
// kernel: kernel.6.cloned.1.call-start
scs
__scs_entry_jumppad:
0x0: {  	(pc) =	sbr.rel $0x88, $3  }
0x1: {  	(tag) =	ssettag $0x0;
	lr =	simm.s32 $0x1  }
0x2: {  	[smem:$0x3F9A] =	sst lr;
	_ =	strace $0xD0000000  }
0x3: {  	_ = 	snop  }
0x4: {  	_ = 	snop  }
0x5: {  	_ = 	snop  }
0x6: {  	_ = 	snop  }
0x7: {  	_ = 	snop  }
__scs_overlays_trampoline_lowered:
0x8: {  	[smem:$0x3FA9] =	sst s0  }
0x9: {  	[smem:$0x3FAA] =	sst s1  }
0xa: {  	[smem:$0x3FAB] =	sst s2  }
0xb: {  	[smem:$0x3FAC] =	sst s3  }
0xc: {  	[smem:$0x3FAD] =	sst s4  }
0xd: {  	[smem:$0x3FAE] =	sst s5  }
0xe: {  	[smem:$0x3FAF] =	sst s6  }
0xf: {  	[smem:$0x3FB0] =	sst s7  }
0x10: {  	[smem:$0x3FB1] =	sst s8  }
0x11: {  	[smem:$0x3FB2] =	sst s9;
	s0 =	simm.s32 @!p0 $0x0  }
0x12: {  	s1 =	sld [smem:$0x3F98];
	s0 =	simm.s32 @p0 $0x1  }
0x13: {  	[smem:$0x3FB3] =	sst s0;
	s0 =	simm.s32 @!p1 $0x0  }
0x14: {  	s2 =	sld [smem:$0x3F97];
	s0 =	simm.s32 @p1 $0x1  }
0x15: {  	[smem:$0x3FB4] =	sst s0;
	s0 =	simm.s32 @!p2 $0x0  }
0x16: {  	s3 =	sld [smem:$0x3FDB];
	s0 =	simm.s32 @p2 $0x1  }
0x17: {  	s4 =	simm.s32 $0x1BF5;
	[smem:$0x3FB6] =	sst s0  }
0x18: {  	s0 =	sld [smem:$0x3F99];
	_ =	swait.ge [sflag:s4], $0x0  }
0x19: {  	s7 =	sld [smem:$0x3F9A]  }
0x1a: {  	s8 =	sadd.s32 $0xFFFFE003, lr  }
0x1b: {  	s9 =	sadd.s32 $0xFFFFFEF7, lr;
	s5 =	simm.s32 $0xFFFFFFFF;
	p2 =	slt.u32 s8, $0xFFFFF086  }
0x1c: {  	p1 =	slt.u32 s9, $0xF7A;
	s5 =	simm.s32 @!p2 $0x0  }
0x1d: {  	s5 =	simm.s32 @p1 $0x1;
	p0 =	seq.s32 s7, s2  }
0x1e: {  	s7 =	smul.u32 @!p0 $0xF7A, s2;
	p2 =	seq.s32 @!p0 s5, $0x0  }
0x1f: {  	s9 =	smul.u32 $0xF7A, s1;
	s8 =	simm.s32 @!p0 $0x1BF5;
	p2 =	por !p2, p0  }
0x20: {  	[sflag:s8] =	ssyncset.s32 @!p0 $0xFFFFF086;
	s6 =	sadd.s32 @!p0 s3, s7;
	s7 =	simm.s32 @!p0 $0x108  }
0x21: {  	s3 =	sadd.s32 s3, s9;
	s6 =	sadd.s32 @!p0 $0x88, s6;
	s7 =	simm.s32 @p2 $0x1082  }
0x22: {  	[simem:s7], [sflag:s8] =	dma.local @!p0 [hbm:s6], $0xF7A  }
0x23: {  	s9 =	sor.u32 $0xD0000000, s2;
	s6 =	simm.s32 $0x108;
	_ =	swait.ge @!p0 [sflag:s8], $0x0  }
0x24: {  	s3 =	sadd.s32 $0x88, s3;
	s6 =	simm.s32 @!p1 $0x1082;
	[sflag:s4] =	ssyncset.s32 $0xFFFFF086  }
0x25: {  	[simem:s6], [sflag:s4] =	dma.local [hbm:s3], $0xF7A  }
0x26: {  	[smem:$0x3F9A] =	sst s1;
	(tag) =	ssettag s2;
	_ =	strace s9  }
0x27: {  	s1 =	sld [smem:$0x3FAA]  }
0x28: {  	s2 =	sld [smem:$0x3FAB]  }
0x29: {  	s4 =	sld [smem:$0x3FAD]  }
0x2a: {  	p0 =	seq.s32 s5, $0x0;
	s5 =	sld [smem:$0x3FAE]  }
0x2b: {  	s6 =	sld [smem:$0x3FAF]  }
0x2c: {  	s7 =	sld [smem:$0x3FB0]  }
0x2d: {  	s3 =	simm.s32 $0x108;
	s8 =	sld [smem:$0x3FB1]  }
0x2e: {  	s3 =	simm.s32 @!p0 $0x1082;
	s9 =	sld [smem:$0x3FB2]  }
0x2f: {  	lr =	sadd.s32 s0, s3;
	s0 =	sld [smem:$0x3FA9]  }
0x30: {  	s3 =	sld [smem:$0x3FAC]  }
0x31: {  	[smem:$0x3FB5] =	sst s10  }
0x32: {  	s10 =	sld [smem:$0x3FB3];
	_ =	sdelay $0x3  }
0x33: {  	p0 =	seq.s32 s10, $0x1;
	s10 =	sld [smem:$0x3FB5];
	_ =	sdelay $0x3  }
0x34: {  	[smem:$0x3FB5] =	sst s10  }
0x35: {  	s10 =	sld [smem:$0x3FB4];
	_ =	sdelay $0x3  }
0x36: {  	p1 =	seq.s32 s10, $0x1;
	s10 =	sld [smem:$0x3FB5];
	_ =	sdelay $0x3  }
0x37: {  	[smem:$0x3FB5] =	sst s10  }
0x38: {  	s10 =	sld [smem:$0x3FB6]  }
0x39: {  	_ = 	snop;
	(pc) =	sbr.ind lr, $3  }
0x3a: {  	_ = 	snop  }
0x3b: {  	_ = 	snop  }
0x3c: {  	p2 =	seq.s32 s10, $0x1;
	s10 =	sld [smem:$0x3FB5]  }
0x3d: {  	_ =	shalt  }
0x3e: {  	_ =	shalt  }
0x3f: {  	_ =	shalt  }
0x40: {  	_ =	shalt  }
0x41: {  	_ =	shalt  }
0x42: {  	_ =	shalt  }
0x43: {  	_ =	shalt  }
0x44: {  	_ =	shalt  }
0x45: {  	_ =	shalt  }
0x46: {  	_ =	shalt  }
0x47: {  	_ =	shalt  }
0x48: {  	_ =	shalt  }
0x49: {  	_ =	shalt  }
0x4a: {  	_ =	shalt  }
0x4b: {  	_ =	shalt  }
0x4c: {  	_ =	shalt  }
0x4d: {  	_ =	shalt  }
0x4e: {  	_ =	shalt  }
0x4f: {  	_ =	shalt  }
0x50: {  	_ =	shalt  }
0x51: {  	_ =	shalt  }
0x52: {  	_ =	shalt  }
0x53: {  	_ =	shalt  }
0x54: {  	_ =	shalt  }
0x55: {  	_ =	shalt  }
0x56: {  	_ =	shalt  }
0x57: {  	_ =	shalt  }
0x58: {  	_ =	shalt  }
0x59: {  	_ =	shalt  }
0x5a: {  	_ =	shalt  }
0x5b: {  	_ =	shalt  }
0x5c: {  	_ =	shalt  }
0x5d: {  	_ =	shalt  }
0x5e: {  	_ =	shalt  }
0x5f: {  	_ =	shalt  }
0x60: {  	_ =	shalt  }
0x61: {  	_ =	shalt  }
0x62: {  	_ =	shalt  }
0x63: {  	_ =	shalt  }
0x64: {  	_ =	shalt  }
0x65: {  	_ =	shalt  }
0x66: {  	_ =	shalt  }
0x67: {  	_ =	shalt  }
0x68: {  	_ =	shalt  }
0x69: {  	_ =	shalt  }
0x6a: {  	_ =	shalt  }
0x6b: {  	_ =	shalt  }
0x6c: {  	_ =	shalt  }
0x6d: {  	_ =	shalt  }
0x6e: {  	_ =	shalt  }
0x6f: {  	_ =	shalt  }
0x70: {  	_ =	shalt  }
0x71: {  	_ =	shalt  }
0x72: {  	_ =	shalt  }
0x73: {  	_ =	shalt  }
0x74: {  	_ =	shalt  }
0x75: {  	_ =	shalt  }
0x76: {  	_ =	shalt  }
0x77: {  	_ =	shalt  }
0x78: {  	_ =	shalt  }
0x79: {  	_ =	shalt  }
0x7a: {  	_ =	shalt  }
0x7b: {  	_ =	shalt  }
0x7c: {  	_ =	shalt  }
0x7d: {  	_ =	shalt  }
0x7e: {  	_ =	shalt  }
0x7f: {  	_ =	shalt  }
0x80: {  	_ =	shalt  }
0x81: {  	_ =	shalt  }
0x82: {  	_ =	shalt  }
0x83: {  	_ =	shalt  }
0x84: {  	_ =	shalt  }
0x85: {  	_ =	shalt  }
0x86: {  	_ =	shalt  }
0x87: {  	_ =	shalt  }
.Lfunc_end0:
.L_simem_size_0:
called_computation_lowered:
.L_overlay_start_0:
0x88: {  	s2 =	sld [smem:$0x3FD9]  }
0x89: {  	s3 =	sld [smem:$0x3FFE];
	_ =	sdelay $0x1  }
0x8a: {  	s1 =	srdreg.scid  }
0x8b: {  	s0 =	sand.u32 $0x1, s1  }
0x8c: {  	s17 =	sshll.u32 s0, $0xA;
	s2 =	sadd.s32 s3, s2  }
0x8d: {  	s2 =	sadd.s32 s2, s17  }
0x8e: {  	[smem:$0x3FC1] =	sst s2  }
0x8f: {  	_ = 	snop  }
0x90: {  	s2 =	sld [smem:$0x3FC9]  }
0x91: {  	s18 =	sld [smem:$0x3FD0];
	(tm) =	ssettm $0x1  }
0x92: {  	s4 =	sld [smem:$0x3FFB];
	_ =	sdelay $0x3  }
0x93: {  	_ =	strace s4  }
0x94: {  	s4 =	sld [smem:$0x3FFC];
	_ =	sdelay $0x3  }
0x95: {  	_ =	strace s4  }
0x96: {  	s4 =	sld [smem:$0x3FFD];
	_ =	sdelay $0x3  }
0x97: {  	_ =	strace s4  }
0x98: {  	_ =	strace $0x8FFFFFFF  }
0x99: {  	s19 =	sld [smem:$0x3FDB];
	_ =	sdelay $0x1  }
0x9a: {  	s5 =	simm.s32 $_scs_section_size  }
0x9b: {  	s6 =	simm.s32 $_size__tile_overlayer_lowered;
	s7 =	simm.s32 $_tile_overlayer_lowered  }
0x9c: {  	s22 =	simm.s32 $0x1BFF;
	s21 =	sshll.u32 s7, $0x1;
	s4 =	sadd.s32 s5, s19  }
0x9d: {  	s8 =	simm.s32 $0x0;
	s20 =	sshll.u32 s6, $0x1;
	s6 =	sadd.s32 s21, s4  }
0x9e: {  	[timem:s8], [sflag:s22] =	dma.local [hbm:s6], s20  }
0x9f: {  	_ =	swait.ge [sflag:s22], s20  }
0xa0: {  	s5 =	ssub.s32 $0x0, s20;
	[sflag:s22] =	ssyncset.done $0x0  }
0xa1: {  	[sflag:s22] =	ssyncadd.s32 s5;
	_ =	sdelay $0x1  }
0xa2: {  	s23 =	simm.s32 $0x1B8B  }
0xa3: {  	_ =	swait.ge [sflag:s23], $0x1  }
0xa4: {  	[sflag:s23] =	ssyncset.done $0x0  }
0xa5: {  	s25 =	simm.s32 $0x1B8E;
	s24 =	sld [smem:$0x3FFE];
	[sflag:s23] =	ssyncadd.s32 $0xFFFFFFFF  }
0xa6: {  	s26 =	simm.s32 $execute0_lowered;
	[smem:$0x3FD2] =	sst s25  }
0xa7: {  	s6 =	sshll.u32 s26, $0x1;
	_ =	strace $0x80000046;
	[dreg:$0x1] =	wrdreg $0xFFFFFFFF  }
0xa8: {  	s28 =	simm.s32 $_size_execute0_lowered;
	s4 =	sadd.s32 s4, s6;
	[dreg:$0x0] =	wrdreg $0x0  }
0xa9: {  	s6 =	sshll.u32 s28, $0x1;
	[dreg:$0x2] =	wrdreg s4  }
0xaa: {  	[dreg:$0x3] =	wrdreg s6  }
0xab: {  	[dreg:$0x4] =	wrdreg $0xC0  }
0xac: {  	_ =	task [dreg:s8], $0x5FFFF  }
0xad: {  	[dreg:$0x1] =	wrdreg $0xFFFFFFFF  }
0xae: {  	[dreg:$0x0] =	wrdreg $0x60  }
0xaf: {  	[dreg:$0x2] =	wrdreg s2  }
0xb0: {  	[dreg:$0x3] =	wrdreg s24  }
0xb1: {  	[dreg:$0x4] =	wrdreg s18  }
0xb2: {  	[dreg:$0x5] =	wrdreg $0x9  }
0xb3: {  	_ =	task.clear_ibuf [dreg:s8], $0x6FFFF;
	_ =	strace $0x90000046  }
0xb4: {  	s29 =	simm.s32 $0x9;
	_ =	strace $0x80000048  }
0xb5: {  	_ =	swait.ge [sflag:s29], $0x1  }
0xb6: {  	[sflag:s29] =	ssyncadd.s32 $0xFFFFFFFF  }
0xb7: {  	_ =	strace $0x90000048  }
0xb8: {  	_ =	sfence  }
0xb9: {  	s30 =	sld [smem:$0x0];
	_ =	sdelay $0x2  }
0xba: {  	s31 =	sshll.u32 s1, $0xD;
	s1 =	sshrl.u32 s1, $0x2  }
0xbb: {  	s3 =	sand.u32 $0x4000, s31;
	s1 =	sadd.s32 s1, s30  }
0xbc: {  	s0 =	sor.u32 s3, s0;
	s1 =	sshll.u32 s1, $0x11  }
0xbd: {  	s0 =	sor.u32 s1, s0  }
0xbe: {  	s0 =	sadd.s32 $0x8F2B, s0  }
0xbf: {  	[sflag:s0] =	ssyncadd.remote.s32 $0x1  }
0xc0: {  	_ =	sfence.sel $0xFFFF  }
0xc1: {  	[dreg:$0x0] =	wrdreg $0xFFFFFFFF;
	(pc) =	sbr.abs _section_cstart, $3  }
0xc2: {  	[dreg:$0x1] =	wrdreg $0xFFFFFFFF  }
0xc3: {  	_ =	task.clear_ibuf [dreg:s8], $0x2FFFF;
	_ =	strace $0x9FFFFFFF  }
0xc4: {  	(tm) =	ssettm $0x7FFFFFFF  }
0xc5: {  	_ =	shalt  }
tec
execute0_lowered:
.L_overlay_start_1:
0x0: {  	(tag) =	ssettag $0x1  }
0x1: {  	s3 =	rddreg [dreg:$0x0]  }
0x2: {  	s1 =	rddreg [dreg:$0x1]  }
0x3: {  	s2 =	srdreg.scid;
	s4 =	rddreg [dreg:$0x2]  }
0x4: {  	s5 =	sand.u32 $0x1, s2;
	[dreg:$0x4] =	wrdreg s4;
	s2 =	simm.s32 $0x0  }
0x5: {  	s22 =	simm.s32 $0x880;
	[smem:$0x7FF] =	sst s2  }
0x6: {  	s23 =	simm.s32 $0x1080;
	_ =	strace $0x80000047;
	[dreg:$0x8] =	wrdreg s22  }
0x7: {  	s24 =	simm.s32 $0x1880;
	[dreg:$0x9] =	wrdreg s23  }
0x8: {  	s25 =	simm.s32 $0x2080;
	[dreg:$0xa] =	wrdreg s24  }
0x9: {  	s0 =	stileid.u32;
	s26 =	simm.s32 $0x2880;
	[dreg:$0xb] =	wrdreg s25  }
0xa: {  	s21 =	sshll.u32 s0, $0x5;
	s0 =	simm.s32 $0x3080;
	[dreg:$0xc] =	wrdreg s26  }
0xb: {  	s8 =	simm.s32 $0x5080;
	[dreg:$0xd] =	wrdreg s0  }
0xc: {  	s9 =	simm.s32 $0x5880;
	[dreg:$0x11] =	wrdreg s8  }
0xd: {  	s10 =	simm.s32 $0x6080;
	[dreg:$0x12] =	wrdreg s9  }
0xe: {  	s11 =	simm.s32 $0x6880;
	[dreg:$0x13] =	wrdreg s10  }
0xf: {  	s12 =	simm.s32 $0x7080;
	[dreg:$0x14] =	wrdreg s11  }
0x10: {  	s13 =	simm.s32 $0x7880;
	s14 =	simm.s32 $0x8080;
	[dreg:$0x15] =	wrdreg s12  }
0x11: {  	s15 =	simm.s32 $0x8880;
	s16 =	simm.s32 $0x9080;
	[dreg:$0x16] =	wrdreg s13  }
0x12: {  	s17 =	simm.s32 $0x9880;
	s18 =	simm.s32 $0xA080;
	[dreg:$0x17] =	wrdreg s14  }
0x13: {  	s20 =	simm.s32 $0xA880;
	s28 =	simm.s32 $0x16880;
	[dreg:$0x18] =	wrdreg s15  }
0x14: {  	s29 =	simm.s32 $0x17080;
	s30 =	simm.s32 $0x17880;
	[dreg:$0x19] =	wrdreg s16  }
0x15: {  	s31 =	simm.s32 $0x1;
	s6 =	sshll.u32 s5, $0x4;
	[dreg:$0x1a] =	wrdreg s17  }
0x16: {  	s5 =	ssub.s32 $0x2, s5;
	s4 =	sor.u32 s6, s21;
	[dreg:$0x1b] =	wrdreg s18  }
0x17: {  	s19 =	sshrl.u32 s5, $0x1;
	[dreg:$0x1c] =	wrdreg s20;
	s21 =	simm.s32 $0xB080  }
0x18: {  	s22 =	simm.s32 $0xB880;
	s23 =	simm.s32 $0xC080;
	s24 =	simm.s32 $0xC880  }
0x19: {  	s25 =	simm.s32 $0xD080;
	s8 =	simm.s32 $0x18080;
	s26 =	simm.s32 $0xD880  }
0x1a: {  	s9 =	simm.s32 $0x80;
	s11 =	simm.s32 $0xE880;
	[dreg:$0x1d] =	wrdreg s21  }
0x1b: {  	s12 =	simm.s32 $0xF080;
	s13 =	simm.s32 $0xF880;
	[dreg:$0x1e] =	wrdreg s22  }
0x1c: {  	s14 =	simm.s32 $0x10080;
	s15 =	simm.s32 $0x10880;
	[dreg:$0x1f] =	wrdreg s23  }
0x1d: {  	s16 =	simm.s32 $0x11080;
	s17 =	simm.s32 $0x11880;
	[smem:$0x7FB] =	sst s24  }
0x1e: {  	s18 =	simm.s32 $0x12080;
	s20 =	simm.s32 $0x13080;
	[smem:$0x7FC] =	sst s25  }
0x1f: {  	s6 =	sadd.s32 s4, s1;
	s4 =	sand.u32 $0xF0, s4;
	[smem:$0x7FD] =	sst s26  }
0x20: {  	s21 =	simm.s32 $0x13880;
	s22 =	simm.s32 $0x14080;
	s23 =	simm.s32 $0x14880  }
0x21: {  	s24 =	simm.s32 $0x15080;
	s25 =	simm.s32 $0x15880;
	s7 =	sadd.s32 $0x200, s6  }
0x22: {  	s4 =	smul.u32 $0x300, s4;
	s6 =	sadd.s32 $0x400, s6;
	[dreg:$0x5] =	wrdreg s7  }
0x23: {  	s26 =	simm.s32 $0x16080;
	[dreg:$0x6] =	wrdreg s6;
	s6 =	simm.s32 $0x4080  }
0x24: {  	s7 =	simm.s32 $0x4880;
	s3 =	sadd.s32 s3, s4;
	[dreg:$0xf] =	wrdreg s6  }
0x25: {  	s4 =	simm.s32 $0x3880;
	[dreg:$0x10] =	wrdreg s7;
	s6 =	ssub.s32 s5, s19  }
0x26: {  	v2 =	vlaneseq.u32;
	s5 =	sadd.s32 $0x800, s1;
	s7 =	simm.s32 $0x3;
	[dreg:$0x7] =	wrdreg s3  }
0x27: {  	vm0 =	vmmov $0xffff;
	v1 =	vshrl.u32 v2, $0x3;
	s19 =	simm.s32 $0x12880;
	[dreg:$0xe] =	wrdreg s4;
	s3 =	sadd.s32 $0x600, s1  }
0x28: {  	v0 =	vand.u32 $0x7, v2;
	v2 =	vor.u32 $0x8, v2;
	v1 =	vmul.u32 $0x8, v1;
	s4 =	sadd.s32 $0x700, s1;
	s6 =	smax.u32 s6, $0x1;
	s1 =	simm.s32 $0x2  }
.LBB2_1:
0x29: {  	s0 =	rddreg [dreg:$0x5]  }
0x2a: {  	[tilespmem:s2], [sflag:$0x3] =	stream.linear.gather [hbm4b:s0+s2], $0x80, $0x38;
	[tilespmem:$0x18100] =	vst v63  }
0x2b: {  	_ =	swait.ge [sflag:s7], $0x80  }
0x2c: {  	[sflag:s7] =	ssyncset.done $0x0  }
0x2d: {  	s10 =	rddreg [dreg:$0x6];
	[sflag:s7] =	ssyncadd.s32 $0xFFFFFF80  }
0x2e: {  	[tilespmem:s8], [sflag:$0x3] =	stream.linear.gather [hbm4b:s10+s2], $0x80, $0x38;
	[tilespmem:$0x18100] =	vst v63  }
0x2f: {  	_ =	swait.ge [sflag:s7], $0x80  }
0x30: {  	[sflag:s7] =	ssyncset.done $0x0  }
0x31: {  	s10 =	rddreg [dreg:$0x7];
	[sflag:s7] =	ssyncadd.s32 $0xFFFFFF80  }
0x32: {  	[tilespmem:s9], [sflag:$0x3] =	stream.linear.gather [hbm4b:s10+s2], $0x18000, $0x38;
	[tilespmem:$0x18100] =	vst v63  }
0x33: {  	_ =	swait.ge [sflag:s7], $0x18000  }
0x34: {  	[sflag:s7] =	ssyncset.done $0x0  }
0x35: {  	[sflag:s7] =	ssyncadd.s32 $0xFFFE8000  }
0x36: {  	v3 =	vld [tilespmem:$0x0];
	_ =	sdelay $0x4  }
0x37: {  	v4 =	vshrl.u32 v3, $0x3  }
0x38: {  	v4 =	vmul.u32 $0x30, v4  }
0x39: {  	v3 =	vand.u32 $0x7, v3  }
0x3a: {  	v3 =	vor.u32 v3, v4  }
0x3b: {  	v4 =	vperm.xlane v3, v0;
	_ =	sdelay $0x1  }
0x3c: {  	v4 =	vadd.s32 v1, v4;
	_ =	sdelay $0x3  }
0x3d: {  	v3 =	vperm.xlane v3, v2  }
0x3e: {  	[hbm4b:s3+s2] =	stream.indirect_vreg.scatter [tilespmem:s9], [sflag:$0x1], $0x80, v4, vm0, $0xb8;
	[tilespmem:$0x18100] =	vst v63  }
0x3f: {  	s0 =	rddreg [dreg:$0x8];
	v3 =	vadd.s32 v1, v3  }
0x40: {  	[hbm4b:s4+s2] =	stream.indirect_vreg.scatter [tilespmem:s0], [sflag:$0x1], $0x80, v4, vm0, $0xb8;
	[tilespmem:$0x18100] =	vst v63  }
0x41: {  	s10 =	rddreg [dreg:$0x9]  }
0x42: {  	[hbm4b:s5+s2] =	stream.indirect_vreg.scatter [tilespmem:s10], [sflag:$0x1], $0x80, v4, vm0, $0xb8;
	[tilespmem:$0x18100] =	vst v63  }
0x43: {  	s0 =	rddreg [dreg:$0xa]  }
0x44: {  	[hbm4b:s3+s2] =	stream.indirect_vreg.scatter [tilespmem:s0], [sflag:$0x1], $0x80, v3, vm0, $0xb8;
	[tilespmem:$0x18100] =	vst v63  }
0x45: {  	s10 =	rddreg [dreg:$0xb]  }
0x46: {  	[hbm4b:s4+s2] =	stream.indirect_vreg.scatter [tilespmem:s10], [sflag:$0x1], $0x80, v3, vm0, $0xb8;
	[tilespmem:$0x18100] =	vst v63  }
0x47: {  	s0 =	rddreg [dreg:$0xc]  }
0x48: {  	[hbm4b:s5+s2] =	stream.indirect_vreg.scatter [tilespmem:s0], [sflag:$0x1], $0x80, v3, vm0, $0xb8;
	[tilespmem:$0x18100] =	vst v63  }
0x49: {  	v3 =	vld [tilespmem:$0x10];
	_ =	sdelay $0x4  }
0x4a: {  	v57 =	vshrl.u32 v3, $0x3  }
0x4b: {  	v4 =	vmul.u32 $0x30, v57  }
0x4c: {  	v3 =	vand.u32 $0x7, v3  }
0x4d: {  	v3 =	vor.u32 v3, v4  }
0x4e: {  	v4 =	vperm.xlane v3, v0;
	_ =	sdelay $0x1  }
0x4f: {  	v4 =	vadd.s32 v1, v4;
	_ =	sdelay $0x3  }
0x50: {  	s0 =	rddreg [dreg:$0xd];
	v3 =	vperm.xlane v3, v2  }
0x51: {  	[hbm4b:s3+s2] =	stream.indirect_vreg.scatter [tilespmem:s0], [sflag:$0x1], $0x80, v4, vm0, $0xb8;
	[tilespmem:$0x18100] =	vst v63  }
0x52: {  	s10 =	rddreg [dreg:$0xe];
	v3 =	vadd.s32 v1, v3  }
0x53: {  	[hbm4b:s4+s2] =	stream.indirect_vreg.scatter [tilespmem:s10], [sflag:$0x1], $0x80, v4, vm0, $0xb8;
	[tilespmem:$0x18100] =	vst v63  }
0x54: {  	s0 =	rddreg [dreg:$0xf]  }
0x55: {  	[hbm4b:s5+s2] =	stream.indirect_vreg.scatter [tilespmem:s0], [sflag:$0x1], $0x80, v4, vm0, $0xb8;
	[tilespmem:$0x18100] =	vst v63  }
0x56: {  	s10 =	rddreg [dreg:$0x10]  }
0x57: {  	[hbm4b:s3+s2] =	stream.indirect_vreg.scatter [tilespmem:s10], [sflag:$0x1], $0x80, v3, vm0, $0xb8;
	[tilespmem:$0x18100] =	vst v63  }
0x58: {  	s0 =	rddreg [dreg:$0x11]  }
0x59: {  	[hbm4b:s4+s2] =	stream.indirect_vreg.scatter [tilespmem:s0], [sflag:$0x1], $0x80, v3, vm0, $0xb8;
	[tilespmem:$0x18100] =	vst v63  }
0x5a: {  	s10 =	rddreg [dreg:$0x12]  }
0x5b: {  	[hbm4b:s5+s2] =	stream.indirect_vreg.scatter [tilespmem:s10], [sflag:$0x1], $0x80, v3, vm0, $0xb8;
	[tilespmem:$0x18100] =	vst v63  }
0x5c: {  	v3 =	vld [tilespmem:$0x20];
	_ =	sdelay $0x4  }
0x5d: {  	v58 =	vshrl.u32 v3, $0x3  }
0x5e: {  	v4 =	vmul.u32 $0x30, v58  }
0x5f: {  	v3 =	vand.u32 $0x7, v3  }
0x60: {  	v3 =	vor.u32 v3, v4  }
0x61: {  	v4 =	vperm.xlane v3, v0;
	_ =	sdelay $0x1  }
0x62: {  	v4 =	vadd.s32 v1, v4;
	_ =	sdelay $0x3  }
0x63: {  	s0 =	rddreg [dreg:$0x13];
	v3 =	vperm.xlane v3, v2  }
0x64: {  	[hbm4b:s3+s2] =	stream.indirect_vreg.scatter [tilespmem:s0], [sflag:$0x1], $0x80, v4, vm0, $0xb8;
	[tilespmem:$0x18100] =	vst v63  }
0x65: {  	s10 =	rddreg [dreg:$0x14];
	v3 =	vadd.s32 v1, v3  }
0x66: {  	[hbm4b:s4+s2] =	stream.indirect_vreg.scatter [tilespmem:s10], [sflag:$0x1], $0x80, v4, vm0, $0xb8;
	[tilespmem:$0x18100] =	vst v63  }
0x67: {  	s0 =	rddreg [dreg:$0x15]  }
0x68: {  	[hbm4b:s5+s2] =	stream.indirect_vreg.scatter [tilespmem:s0], [sflag:$0x1], $0x80, v4, vm0, $0xb8;
	[tilespmem:$0x18100] =	vst v63  }
0x69: {  	s10 =	rddreg [dreg:$0x16]  }
0x6a: {  	[hbm4b:s3+s2] =	stream.indirect_vreg.scatter [tilespmem:s10], [sflag:$0x1], $0x80, v3, vm0, $0xb8;
	[tilespmem:$0x18100] =	vst v63  }
0x6b: {  	s0 =	rddreg [dreg:$0x17]  }
0x6c: {  	[hbm4b:s4+s2] =	stream.indirect_vreg.scatter [tilespmem:s0], [sflag:$0x1], $0x80, v3, vm0, $0xb8;
	[tilespmem:$0x18100] =	vst v63  }
0x6d: {  	s10 =	rddreg [dreg:$0x18]  }
0x6e: {  	[hbm4b:s5+s2] =	stream.indirect_vreg.scatter [tilespmem:s10], [sflag:$0x1], $0x80, v3, vm0, $0xb8;
	[tilespmem:$0x18100] =	vst v63  }
0x6f: {  	v3 =	vld [tilespmem:$0x30];
	_ =	sdelay $0x4  }
0x70: {  	v59 =	vshrl.u32 v3, $0x3  }
0x71: {  	v4 =	vmul.u32 $0x30, v59  }
0x72: {  	v3 =	vand.u32 $0x7, v3  }
0x73: {  	v3 =	vor.u32 v3, v4  }
0x74: {  	v4 =	vperm.xlane v3, v0;
	_ =	sdelay $0x1  }
0x75: {  	v4 =	vadd.s32 v1, v4;
	_ =	sdelay $0x3  }
0x76: {  	s0 =	rddreg [dreg:$0x19];
	v3 =	vperm.xlane v3, v2  }
0x77: {  	[hbm4b:s3+s2] =	stream.indirect_vreg.scatter [tilespmem:s0], [sflag:$0x1], $0x80, v4, vm0, $0xb8;
	[tilespmem:$0x18100] =	vst v63  }
0x78: {  	s10 =	rddreg [dreg:$0x1a];
	v3 =	vadd.s32 v1, v3  }
0x79: {  	[hbm4b:s4+s2] =	stream.indirect_vreg.scatter [tilespmem:s10], [sflag:$0x1], $0x80, v4, vm0, $0xb8;
	[tilespmem:$0x18100] =	vst v63  }
0x7a: {  	s0 =	rddreg [dreg:$0x1b]  }
0x7b: {  	[hbm4b:s5+s2] =	stream.indirect_vreg.scatter [tilespmem:s0], [sflag:$0x1], $0x80, v4, vm0, $0xb8;
	[tilespmem:$0x18100] =	vst v63  }
0x7c: {  	s10 =	rddreg [dreg:$0x1c]  }
0x7d: {  	[hbm4b:s3+s2] =	stream.indirect_vreg.scatter [tilespmem:s10], [sflag:$0x1], $0x80, v3, vm0, $0xb8;
	[tilespmem:$0x18100] =	vst v63  }
0x7e: {  	s0 =	rddreg [dreg:$0x1d]  }
0x7f: {  	[hbm4b:s4+s2] =	stream.indirect_vreg.scatter [tilespmem:s0], [sflag:$0x1], $0x80, v3, vm0, $0xb8;
	[tilespmem:$0x18100] =	vst v63  }
0x80: {  	s10 =	rddreg [dreg:$0x1e]  }
0x81: {  	[hbm4b:s5+s2] =	stream.indirect_vreg.scatter [tilespmem:s10], [sflag:$0x1], $0x80, v3, vm0, $0xb8;
	[tilespmem:$0x18100] =	vst v63  }
0x82: {  	v3 =	vld [tilespmem:$0x40];
	_ =	sdelay $0x4  }
0x83: {  	v60 =	vshrl.u32 v3, $0x3  }
0x84: {  	v4 =	vmul.u32 $0x30, v60  }
0x85: {  	v3 =	vand.u32 $0x7, v3  }
0x86: {  	v3 =	vor.u32 v3, v4  }
0x87: {  	v4 =	vperm.xlane v3, v0;
	_ =	sdelay $0x1  }
0x88: {  	v4 =	vadd.s32 v1, v4;
	_ =	sdelay $0x2  }
0x89: {  	s0 =	rddreg [dreg:$0x1f]  }
0x8a: {  	s10 =	sld [smem:$0x7FB];
	v3 =	vperm.xlane v3, v2  }
0x8b: {  	[hbm4b:s3+s2] =	stream.indirect_vreg.scatter [tilespmem:s0], [sflag:$0x1], $0x80, v4, vm0, $0xb8;
	[tilespmem:$0x18100] =	vst v63  }
0x8c: {  	v3 =	vadd.s32 v1, v3;
	s0 =	sld [smem:$0x7FC]  }
0x8d: {  	[hbm4b:s4+s2] =	stream.indirect_vreg.scatter [tilespmem:s10], [sflag:$0x1], $0x80, v4, vm0, $0xb8;
	[tilespmem:$0x18100] =	vst v63  }
0x8e: {  	s10 =	sld [smem:$0x7FD]  }
0x8f: {  	[hbm4b:s5+s2] =	stream.indirect_vreg.scatter [tilespmem:s0], [sflag:$0x1], $0x80, v4, vm0, $0xb8;
	[tilespmem:$0x18100] =	vst v63  }
0x90: {  	_ = 	snop  }
0x91: {  	[hbm4b:s3+s2] =	stream.indirect_vreg.scatter [tilespmem:s10], [sflag:$0x1], $0x80, v3, vm0, $0xb8;
	[tilespmem:$0x18100] =	vst v63  }
0x92: {  	s10 =	simm.s32 $0xE080  }
0x93: {  	[hbm4b:s4+s2] =	stream.indirect_vreg.scatter [tilespmem:s10], [sflag:$0x1], $0x80, v3, vm0, $0xb8;
	[tilespmem:$0x18100] =	vst v63  }
0x94: {  	_ = 	snop  }
0x95: {  	[hbm4b:s5+s2] =	stream.indirect_vreg.scatter [tilespmem:s11], [sflag:$0x1], $0x80, v3, vm0, $0xb8;
	[tilespmem:$0x18100] =	vst v63  }
0x96: {  	v3 =	vld [tilespmem:$0x50];
	_ =	sdelay $0x4  }
0x97: {  	v61 =	vshrl.u32 v3, $0x3  }
0x98: {  	v4 =	vmul.u32 $0x30, v61  }
0x99: {  	v3 =	vand.u32 $0x7, v3  }
0x9a: {  	v3 =	vor.u32 v3, v4  }
0x9b: {  	v4 =	vperm.xlane v3, v0;
	_ =	sdelay $0x1  }
0x9c: {  	v4 =	vadd.s32 v1, v4;
	_ =	sdelay $0x3  }
0x9d: {  	v3 =	vperm.xlane v3, v2  }
0x9e: {  	[hbm4b:s3+s2] =	stream.indirect_vreg.scatter [tilespmem:s12], [sflag:$0x1], $0x80, v4, vm0, $0xb8;
	[tilespmem:$0x18100] =	vst v63  }
0x9f: {  	v3 =	vadd.s32 v1, v3  }
0xa0: {  	[hbm4b:s4+s2] =	stream.indirect_vreg.scatter [tilespmem:s13], [sflag:$0x1], $0x80, v4, vm0, $0xb8;
	[tilespmem:$0x18100] =	vst v63  }
0xa1: {  	_ = 	snop  }
0xa2: {  	[hbm4b:s5+s2] =	stream.indirect_vreg.scatter [tilespmem:s14], [sflag:$0x1], $0x80, v4, vm0, $0xb8;
	[tilespmem:$0x18100] =	vst v63  }
0xa3: {  	_ = 	snop  }
0xa4: {  	[hbm4b:s3+s2] =	stream.indirect_vreg.scatter [tilespmem:s15], [sflag:$0x1], $0x80, v3, vm0, $0xb8;
	[tilespmem:$0x18100] =	vst v63  }
0xa5: {  	_ = 	snop  }
0xa6: {  	[hbm4b:s4+s2] =	stream.indirect_vreg.scatter [tilespmem:s16], [sflag:$0x1], $0x80, v3, vm0, $0xb8;
	[tilespmem:$0x18100] =	vst v63  }
0xa7: {  	_ = 	snop  }
0xa8: {  	[hbm4b:s5+s2] =	stream.indirect_vreg.scatter [tilespmem:s17], [sflag:$0x1], $0x80, v3, vm0, $0xb8;
	[tilespmem:$0x18100] =	vst v63  }
0xa9: {  	v3 =	vld [tilespmem:$0x60];
	_ =	sdelay $0x4  }
0xaa: {  	v62 =	vshrl.u32 v3, $0x3  }
0xab: {  	v4 =	vmul.u32 $0x30, v62  }
0xac: {  	v3 =	vand.u32 $0x7, v3  }
0xad: {  	v3 =	vor.u32 v3, v4  }
0xae: {  	v4 =	vperm.xlane v3, v0;
	_ =	sdelay $0x1  }
0xaf: {  	v4 =	vadd.s32 v1, v4;
	_ =	sdelay $0x3  }
0xb0: {  	v3 =	vperm.xlane v3, v2  }
0xb1: {  	[hbm4b:s3+s2] =	stream.indirect_vreg.scatter [tilespmem:s18], [sflag:$0x1], $0x80, v4, vm0, $0xb8;
	[tilespmem:$0x18100] =	vst v63  }
0xb2: {  	v3 =	vadd.s32 v1, v3  }
0xb3: {  	[hbm4b:s4+s2] =	stream.indirect_vreg.scatter [tilespmem:s19], [sflag:$0x1], $0x80, v4, vm0, $0xb8;
	[tilespmem:$0x18100] =	vst v63  }
0xb4: {  	_ = 	snop  }
0xb5: {  	[hbm4b:s5+s2] =	stream.indirect_vreg.scatter [tilespmem:s20], [sflag:$0x1], $0x80, v4, vm0, $0xb8;
	[tilespmem:$0x18100] =	vst v63  }
0xb6: {  	_ = 	snop  }
0xb7: {  	[hbm4b:s3+s2] =	stream.indirect_vreg.scatter [tilespmem:s21], [sflag:$0x1], $0x80, v3, vm0, $0xb8;
	[tilespmem:$0x18100] =	vst v63  }
0xb8: {  	_ = 	snop  }
0xb9: {  	[hbm4b:s4+s2] =	stream.indirect_vreg.scatter [tilespmem:s22], [sflag:$0x1], $0x80, v3, vm0, $0xb8;
	[tilespmem:$0x18100] =	vst v63  }
0xba: {  	_ = 	snop  }
0xbb: {  	[hbm4b:s5+s2] =	stream.indirect_vreg.scatter [tilespmem:s23], [sflag:$0x1], $0x80, v3, vm0, $0xb8;
	[tilespmem:$0x18100] =	vst v63  }
0xbc: {  	v3 =	vld [tilespmem:$0x70];
	_ =	sdelay $0x4  }
0xbd: {  	v63 =	vshrl.u32 v3, $0x3  }
0xbe: {  	v4 =	vmul.u32 $0x30, v63  }
0xbf: {  	v3 =	vand.u32 $0x7, v3  }
0xc0: {  	v3 =	vor.u32 v3, v4  }
0xc1: {  	v4 =	vperm.xlane v3, v0;
	_ =	sdelay $0x1  }
0xc2: {  	v4 =	vadd.s32 v1, v4;
	_ =	sdelay $0x3  }
0xc3: {  	v3 =	vperm.xlane v3, v2  }
0xc4: {  	[hbm4b:s3+s2] =	stream.indirect_vreg.scatter [tilespmem:s24], [sflag:$0x1], $0x80, v4, vm0, $0xb8;
	[tilespmem:$0x18100] =	vst v63  }
0xc5: {  	v3 =	vadd.s32 v1, v3  }
0xc6: {  	[hbm4b:s4+s2] =	stream.indirect_vreg.scatter [tilespmem:s25], [sflag:$0x1], $0x80, v4, vm0, $0xb8;
	[tilespmem:$0x18100] =	vst v63  }
0xc7: {  	_ = 	snop  }
0xc8: {  	[hbm4b:s5+s2] =	stream.indirect_vreg.scatter [tilespmem:s26], [sflag:$0x1], $0x80, v4, vm0, $0xb8;
	[tilespmem:$0x18100] =	vst v63  }
0xc9: {  	_ = 	snop  }
0xca: {  	[hbm4b:s3+s2] =	stream.indirect_vreg.scatter [tilespmem:s28], [sflag:$0x1], $0x80, v3, vm0, $0xb8;
	[tilespmem:$0x18100] =	vst v63  }
0xcb: {  	_ = 	snop  }
0xcc: {  	[hbm4b:s4+s2] =	stream.indirect_vreg.scatter [tilespmem:s29], [sflag:$0x1], $0x80, v3, vm0, $0xb8;
	[tilespmem:$0x18100] =	vst v63  }
0xcd: {  	_ = 	snop  }
0xce: {  	[hbm4b:s5+s2] =	stream.indirect_vreg.scatter [tilespmem:s30], [sflag:$0x1], $0x80, v3, vm0, $0xb8;
	[tilespmem:$0x18100] =	vst v63  }
0xcf: {  	s10 =	rddreg [dreg:$0x4]  }
0xd0: {  	[hbm4b:s10+s9] =	stream.indirect.scatter [tilespmem:s8], [sflag:$0x2], $0x1, s2, s9, $0xb8;
	[tilespmem:$0x18100] =	vst v63  }
0xd1: {  	p0 =	sne.s32 s6, $0x1;
	_ =	swait.ge [sflag:s31], $0x18000  }
.Ltmp0:
0xd2: {  	[sflag:s31] =	ssyncset.done $0x0;
	(pc) =	sbr.rel @p0 .LBB2_1-.Ltmp0, $4  }
0xd3: {  	[sflag:s31] =	ssyncadd.s32 $0xFFFE8000  }
0xd4: {  	_ =	swait.ge [sflag:s1], $0x80  }
0xd5: {  	[sflag:s1] =	ssyncset.done $0x0  }
0xd6: {  	s6 =	sadd.s32 $0xFFFFFFFF, s6;
	[sflag:s1] =	ssyncadd.s32 $0xFFFFFF80  }
0xd7: {  	_ =	sfence.sel $0x180000  }
0xd8: {  	[bflag:$0x0] =	sbarrier.arrive $0xFFFF  }
0xd9: {  	_ =	strace $0x90000047  }
0xda: {  	s0 =	stileid.u32;
	[bflag:$0x2] =	sbarrier.arrive $0xFFFF  }
0xdb: {  	p0 =	sne.s32 s0, $0x0;
	s0 =	rddreg [dreg:$0x3]  }
0xdc: {  	s0 =	sadd.s32 @!p0 $0x100000, s0  }
0xdd: {  	[sflag:s0] =	ssyncadd.tile.s32 @!p0 $0x1;
	_ =	shalt  }
.Lfunc_end2:
_tile_overlayer_lowered:
.L_overlay_start_2:
0xde: {  	(tag) =	ssettag $0x2  }
0xdf: {  	s0 =	rddreg [dreg:$0x0];
	s2 =	stileid.u32  }
0xe0: {  	s1 =	rddreg [dreg:$0x1];
	p0 =	sne.s32 s2, $0x0  }
0xe1: {  	s3 =	rddreg [dreg:$0x2];
	[bflag:$0x3] =	sbarrier.arrive $0xFFFF;
	s2 =	simm.s32 @!p0 $0x1C03  }
0xe2: {  	[timem:s3], [sflag:s2] =	dma.local @!p0 [hbm:s0], s1  }
0xe3: {  	s0 =	simm.s32 @!p0 $0x3  }
0xe4: {  	_ =	swait.ge @!p0 [sflag:s0], s1  }
0xe5: {  	s1 =	ssub.s32 @!p0 $0x0, s1;
	[sflag:s0] =	ssyncset.done @!p0 $0x0  }
0xe6: {  	[sflag:s0] =	ssyncadd.s32 @!p0 s1  }
0xe7: {  	[bflag:$0x3] =	sbarrier.arrive $0xFFFF  }
0xe8: {  	_ =	shalt  }

// kernel: kernel.9.cloned.1.call-start
scs
__scs_entry_jumppad:
0x0: {  	(pc) =	sbr.rel $0x88, $3  }
0x1: {  	(tag) =	ssettag $0x0;
	lr =	simm.s32 $0x1  }
0x2: {  	[smem:$0x3F9A] =	sst lr;
	_ =	strace $0xD0000000  }
0x3: {  	_ = 	snop  }
0x4: {  	_ = 	snop  }
0x5: {  	_ = 	snop  }
0x6: {  	_ = 	snop  }
0x7: {  	_ = 	snop  }
__scs_overlays_trampoline_lowered:
0x8: {  	[smem:$0x3FA9] =	sst s0  }
0x9: {  	[smem:$0x3FAA] =	sst s1  }
0xa: {  	[smem:$0x3FAB] =	sst s2  }
0xb: {  	[smem:$0x3FAC] =	sst s3  }
0xc: {  	[smem:$0x3FAD] =	sst s4  }
0xd: {  	[smem:$0x3FAE] =	sst s5  }
0xe: {  	[smem:$0x3FAF] =	sst s6  }
0xf: {  	[smem:$0x3FB0] =	sst s7  }
0x10: {  	[smem:$0x3FB1] =	sst s8  }
0x11: {  	[smem:$0x3FB2] =	sst s9;
	s0 =	simm.s32 @!p0 $0x0  }
0x12: {  	s1 =	sld [smem:$0x3F98];
	s0 =	simm.s32 @p0 $0x1  }
0x13: {  	[smem:$0x3FB3] =	sst s0;
	s0 =	simm.s32 @!p1 $0x0  }
0x14: {  	s2 =	sld [smem:$0x3F97];
	s0 =	simm.s32 @p1 $0x1  }
0x15: {  	[smem:$0x3FB4] =	sst s0;
	s0 =	simm.s32 @!p2 $0x0  }
0x16: {  	s3 =	sld [smem:$0x3FDB];
	s0 =	simm.s32 @p2 $0x1  }
0x17: {  	s4 =	simm.s32 $0x1BF5;
	[smem:$0x3FB6] =	sst s0  }
0x18: {  	s0 =	sld [smem:$0x3F99];
	_ =	swait.ge [sflag:s4], $0x0  }
0x19: {  	s7 =	sld [smem:$0x3F9A]  }
0x1a: {  	s8 =	sadd.s32 $0xFFFFE003, lr  }
0x1b: {  	s9 =	sadd.s32 $0xFFFFFEF7, lr;
	s5 =	simm.s32 $0xFFFFFFFF;
	p2 =	slt.u32 s8, $0xFFFFF086  }
0x1c: {  	p1 =	slt.u32 s9, $0xF7A;
	s5 =	simm.s32 @!p2 $0x0  }
0x1d: {  	s5 =	simm.s32 @p1 $0x1;
	p0 =	seq.s32 s7, s2  }
0x1e: {  	s7 =	smul.u32 @!p0 $0xF7A, s2;
	p2 =	seq.s32 @!p0 s5, $0x0  }
0x1f: {  	s9 =	smul.u32 $0xF7A, s1;
	s8 =	simm.s32 @!p0 $0x1BF5;
	p2 =	por !p2, p0  }
0x20: {  	[sflag:s8] =	ssyncset.s32 @!p0 $0xFFFFF086;
	s6 =	sadd.s32 @!p0 s3, s7;
	s7 =	simm.s32 @!p0 $0x108  }
0x21: {  	s3 =	sadd.s32 s3, s9;
	s6 =	sadd.s32 @!p0 $0x88, s6;
	s7 =	simm.s32 @p2 $0x1082  }
0x22: {  	[simem:s7], [sflag:s8] =	dma.local @!p0 [hbm:s6], $0xF7A  }
0x23: {  	s9 =	sor.u32 $0xD0000000, s2;
	s6 =	simm.s32 $0x108;
	_ =	swait.ge @!p0 [sflag:s8], $0x0  }
0x24: {  	s3 =	sadd.s32 $0x88, s3;
	s6 =	simm.s32 @!p1 $0x1082;
	[sflag:s4] =	ssyncset.s32 $0xFFFFF086  }
0x25: {  	[simem:s6], [sflag:s4] =	dma.local [hbm:s3], $0xF7A  }
0x26: {  	[smem:$0x3F9A] =	sst s1;
	(tag) =	ssettag s2;
	_ =	strace s9  }
0x27: {  	s1 =	sld [smem:$0x3FAA]  }
0x28: {  	s2 =	sld [smem:$0x3FAB]  }
0x29: {  	s4 =	sld [smem:$0x3FAD]  }
0x2a: {  	p0 =	seq.s32 s5, $0x0;
	s5 =	sld [smem:$0x3FAE]  }
0x2b: {  	s6 =	sld [smem:$0x3FAF]  }
0x2c: {  	s7 =	sld [smem:$0x3FB0]  }
0x2d: {  	s3 =	simm.s32 $0x108;
	s8 =	sld [smem:$0x3FB1]  }
0x2e: {  	s3 =	simm.s32 @!p0 $0x1082;
	s9 =	sld [smem:$0x3FB2]  }
0x2f: {  	lr =	sadd.s32 s0, s3;
	s0 =	sld [smem:$0x3FA9]  }
0x30: {  	s3 =	sld [smem:$0x3FAC]  }
0x31: {  	[smem:$0x3FB5] =	sst s10  }
0x32: {  	s10 =	sld [smem:$0x3FB3];
	_ =	sdelay $0x3  }
0x33: {  	p0 =	seq.s32 s10, $0x1;
	s10 =	sld [smem:$0x3FB5];
	_ =	sdelay $0x3  }
0x34: {  	[smem:$0x3FB5] =	sst s10  }
0x35: {  	s10 =	sld [smem:$0x3FB4];
	_ =	sdelay $0x3  }
0x36: {  	p1 =	seq.s32 s10, $0x1;
	s10 =	sld [smem:$0x3FB5];
	_ =	sdelay $0x3  }
0x37: {  	[smem:$0x3FB5] =	sst s10  }
0x38: {  	s10 =	sld [smem:$0x3FB6]  }
0x39: {  	_ = 	snop;
	(pc) =	sbr.ind lr, $3  }
0x3a: {  	_ = 	snop  }
0x3b: {  	_ = 	snop  }
0x3c: {  	p2 =	seq.s32 s10, $0x1;
	s10 =	sld [smem:$0x3FB5]  }
0x3d: {  	_ =	shalt  }
0x3e: {  	_ =	shalt  }
0x3f: {  	_ =	shalt  }
0x40: {  	_ =	shalt  }
0x41: {  	_ =	shalt  }
0x42: {  	_ =	shalt  }
0x43: {  	_ =	shalt  }
0x44: {  	_ =	shalt  }
0x45: {  	_ =	shalt  }
0x46: {  	_ =	shalt  }
0x47: {  	_ =	shalt  }
0x48: {  	_ =	shalt  }
0x49: {  	_ =	shalt  }
0x4a: {  	_ =	shalt  }
0x4b: {  	_ =	shalt  }
0x4c: {  	_ =	shalt  }
0x4d: {  	_ =	shalt  }
0x4e: {  	_ =	shalt  }
0x4f: {  	_ =	shalt  }
0x50: {  	_ =	shalt  }
0x51: {  	_ =	shalt  }
0x52: {  	_ =	shalt  }
0x53: {  	_ =	shalt  }
0x54: {  	_ =	shalt  }
0x55: {  	_ =	shalt  }
0x56: {  	_ =	shalt  }
0x57: {  	_ =	shalt  }
0x58: {  	_ =	shalt  }
0x59: {  	_ =	shalt  }
0x5a: {  	_ =	shalt  }
0x5b: {  	_ =	shalt  }
0x5c: {  	_ =	shalt  }
0x5d: {  	_ =	shalt  }
0x5e: {  	_ =	shalt  }
0x5f: {  	_ =	shalt  }
0x60: {  	_ =	shalt  }
0x61: {  	_ =	shalt  }
0x62: {  	_ =	shalt  }
0x63: {  	_ =	shalt  }
0x64: {  	_ =	shalt  }
0x65: {  	_ =	shalt  }
0x66: {  	_ =	shalt  }
0x67: {  	_ =	shalt  }
0x68: {  	_ =	shalt  }
0x69: {  	_ =	shalt  }
0x6a: {  	_ =	shalt  }
0x6b: {  	_ =	shalt  }
0x6c: {  	_ =	shalt  }
0x6d: {  	_ =	shalt  }
0x6e: {  	_ =	shalt  }
0x6f: {  	_ =	shalt  }
0x70: {  	_ =	shalt  }
0x71: {  	_ =	shalt  }
0x72: {  	_ =	shalt  }
0x73: {  	_ =	shalt  }
0x74: {  	_ =	shalt  }
0x75: {  	_ =	shalt  }
0x76: {  	_ =	shalt  }
0x77: {  	_ =	shalt  }
0x78: {  	_ =	shalt  }
0x79: {  	_ =	shalt  }
0x7a: {  	_ =	shalt  }
0x7b: {  	_ =	shalt  }
0x7c: {  	_ =	shalt  }
0x7d: {  	_ =	shalt  }
0x7e: {  	_ =	shalt  }
0x7f: {  	_ =	shalt  }
0x80: {  	_ =	shalt  }
0x81: {  	_ =	shalt  }
0x82: {  	_ =	shalt  }
0x83: {  	_ =	shalt  }
0x84: {  	_ =	shalt  }
0x85: {  	_ =	shalt  }
0x86: {  	_ =	shalt  }
0x87: {  	_ =	shalt  }
.Lfunc_end0:
.L_simem_size_0:
called_computation.1_lowered:
.L_overlay_start_0:
0x88: {  	s2 =	sld [smem:$0x3FD9]  }
0x89: {  	s3 =	sld [smem:$0x3FFE];
	_ =	sdelay $0x1  }
0x8a: {  	s1 =	srdreg.scid  }
0x8b: {  	s0 =	sand.u32 $0x1, s1  }
0x8c: {  	s17 =	sshll.u32 s0, $0xA;
	s2 =	sadd.s32 s3, s2  }
0x8d: {  	s2 =	sadd.s32 s2, s17  }
0x8e: {  	[smem:$0x3FC1] =	sst s2  }
0x8f: {  	_ = 	snop  }
0x90: {  	s2 =	sld [smem:$0x3FD0];
	(tm) =	ssettm $0x1  }
0x91: {  	s18 =	sld [smem:$0x3FFB];
	_ =	sdelay $0x3  }
0x92: {  	_ =	strace s18  }
0x93: {  	s3 =	sld [smem:$0x3FFC];
	_ =	sdelay $0x3  }
0x94: {  	_ =	strace s3  }
0x95: {  	s3 =	sld [smem:$0x3FFD];
	_ =	sdelay $0x3  }
0x96: {  	_ =	strace s3  }
0x97: {  	_ =	strace $0x8FFFFFFF  }
0x98: {  	s19 =	sld [smem:$0x3FDB];
	_ =	sdelay $0x1  }
0x99: {  	s4 =	simm.s32 $_scs_section_size  }
0x9a: {  	s5 =	simm.s32 $_size__tile_overlayer_lowered;
	s6 =	simm.s32 $_tile_overlayer_lowered  }
0x9b: {  	s22 =	simm.s32 $0x1BFF;
	s21 =	sshll.u32 s6, $0x1;
	s3 =	sadd.s32 s4, s19  }
0x9c: {  	s7 =	simm.s32 $0x0;
	s20 =	sshll.u32 s5, $0x1;
	s5 =	sadd.s32 s21, s3  }
0x9d: {  	[timem:s7], [sflag:s22] =	dma.local [hbm:s5], s20  }
0x9e: {  	_ =	swait.ge [sflag:s22], s20  }
0x9f: {  	s4 =	ssub.s32 $0x0, s20;
	[sflag:s22] =	ssyncset.done $0x0  }
0xa0: {  	[sflag:s22] =	ssyncadd.s32 s4;
	_ =	sdelay $0x1  }
0xa1: {  	s23 =	simm.s32 $0x1B8B  }
0xa2: {  	_ =	swait.ge [sflag:s23], $0x1  }
0xa3: {  	[sflag:s23] =	ssyncset.done $0x0  }
0xa4: {  	s25 =	simm.s32 $0x1B8E;
	s24 =	sld [smem:$0x3FFE];
	[sflag:s23] =	ssyncadd.s32 $0xFFFFFFFF  }
0xa5: {  	s26 =	simm.s32 $execute0_lowered;
	[smem:$0x3FD2] =	sst s25  }
0xa6: {  	s5 =	sshll.u32 s26, $0x1;
	_ =	strace $0x80000049;
	[dreg:$0x1] =	wrdreg $0xFFFFFFFF  }
0xa7: {  	s28 =	simm.s32 $_size_execute0_lowered;
	s3 =	sadd.s32 s3, s5;
	[dreg:$0x0] =	wrdreg $0x0  }
0xa8: {  	s5 =	sshll.u32 s28, $0x1;
	[dreg:$0x2] =	wrdreg s3  }
0xa9: {  	[dreg:$0x3] =	wrdreg s5  }
0xaa: {  	[dreg:$0x4] =	wrdreg $0xC0  }
0xab: {  	_ =	task [dreg:s7], $0x5FFFF  }
0xac: {  	[dreg:$0x1] =	wrdreg $0xFFFFFFFF  }
0xad: {  	[dreg:$0x0] =	wrdreg $0x60  }
0xae: {  	[dreg:$0x2] =	wrdreg s24  }
0xaf: {  	[dreg:$0x3] =	wrdreg s2  }
0xb0: {  	[dreg:$0x4] =	wrdreg $0x9  }
0xb1: {  	_ =	task.clear_ibuf [dreg:s7], $0x5FFFF;
	_ =	strace $0x90000049  }
0xb2: {  	s29 =	simm.s32 $0x9;
	_ =	strace $0x8000004B  }
0xb3: {  	_ =	swait.ge [sflag:s29], $0x1  }
0xb4: {  	[sflag:s29] =	ssyncadd.s32 $0xFFFFFFFF  }
0xb5: {  	_ =	strace $0x9000004B  }
0xb6: {  	_ =	sfence  }
0xb7: {  	s30 =	sld [smem:$0x0];
	_ =	sdelay $0x2  }
0xb8: {  	s31 =	sshll.u32 s1, $0xD;
	s1 =	sshrl.u32 s1, $0x2  }
0xb9: {  	s3 =	sand.u32 $0x4000, s31;
	s1 =	sadd.s32 s1, s30  }
0xba: {  	s0 =	sor.u32 s3, s0;
	s1 =	sshll.u32 s1, $0x11  }
0xbb: {  	s0 =	sor.u32 s1, s0  }
0xbc: {  	s0 =	sadd.s32 $0x8F2B, s0  }
0xbd: {  	[sflag:s0] =	ssyncadd.remote.s32 $0x1  }
0xbe: {  	_ =	sfence.sel $0xFFFF  }
0xbf: {  	[dreg:$0x0] =	wrdreg $0xFFFFFFFF;
	(pc) =	sbr.abs _section_cstart, $3  }
0xc0: {  	[dreg:$0x1] =	wrdreg $0xFFFFFFFF  }
0xc1: {  	_ =	task.clear_ibuf [dreg:s7], $0x2FFFF;
	_ =	strace $0x9FFFFFFF  }
0xc2: {  	(tm) =	ssettm $0x7FFFFFFF  }
0xc3: {  	_ =	shalt  }
tec
execute0_lowered:
.L_overlay_start_1:
0x0: {  	(tag) =	ssettag $0x1  }
0x1: {  	s0 =	rddreg [dreg:$0x0]  }
0x2: {  	s1 =	rddreg [dreg:$0x1]  }
0x3: {  	s2 =	simm.s32 $0x0;
	s3 =	srdreg.scid;
	s5 =	stileid.u32  }
0x4: {  	s10 =	simm.s32 $0x3;
	s12 =	simm.s32 $0x100;
	s26 =	simm.s32 $0x11900  }
0x5: {  	s28 =	simm.s32 $0x12100;
	s29 =	simm.s32 $0x12900;
	s30 =	simm.s32 $0x13100  }
0x6: {  	s31 =	simm.s32 $0x13900;
	s11 =	simm.s32 $0x15100;
	s13 =	simm.s32 $0x15900  }
0x7: {  	s14 =	simm.s32 $0x16100;
	s15 =	simm.s32 $0x16900;
	s16 =	simm.s32 $0x17100  }
0x8: {  	s17 =	simm.s32 $0x17900;
	s18 =	simm.s32 $0x1;
	s19 =	simm.s32 $0x2  }
0x9: {  	s20 =	simm.s32 $0x0;
	[smem:$0x7FF] =	sst s2;
	s4 =	sand.u32 $0x1, s3  }
0xa: {  	s5 =	sshll.u32 s5, $0x4;
	s3 =	sadd.s32 $0x400, s0;
	s6 =	sshll.u32 s4, $0x3  }
0xb: {  	_ =	strace $0x8000004A;
	s4 =	ssub.s32 $0x2, s4;
	s5 =	sor.u32 s6, s5  }
0xc: {  	s7 =	sshrl.u32 s4, $0x1;
	s6 =	sadd.s32 s5, s0;
	s8 =	smul.u32 $0x300, s5  }
0xd: {  	v2 =	vlaneseq.u32;
	s9 =	ssub.s32 s4, s7;
	s7 =	sadd.s32 $0x600, s0;
	s4 =	sadd.s32 $0x200, s6  }
0xe: {  	vm0 =	vmmov $0xffff;
	v1 =	vshrl.u32 v2, $0x3;
	s5 =	sadd.s32 $0x300, s6;
	s6 =	sadd.s32 $0x500, s0;
	s9 =	smax.u32 s9, $0x1  }
0xf: {  	v0 =	vand.u32 $0x7, v2;
	v2 =	vor.u32 $0x8, v2;
	v1 =	vmul.u32 $0x8, v1;
	s0 =	simm.s32 $0x14100;
	s8 =	sadd.s32 s1, s8;
	s1 =	simm.s32 $0x14900  }
.LBB2_1:
0x10: {  	[tilespmem:s2], [sflag:$0x3] =	stream.linear.gather [hbm4b:s4+s2], $0x40, $0x38;
	[tilespmem:$0x18100] =	vst v63  }
0x11: {  	_ =	swait.ge [sflag:s10], $0x40  }
0x12: {  	[sflag:s10] =	ssyncset.done $0x0  }
0x13: {  	s21 =	simm.s32 $0x80;
	[sflag:s10] =	ssyncadd.s32 $0xFFFFFFC0  }
0x14: {  	[tilespmem:s21], [sflag:$0x3] =	stream.linear.gather [hbm4b:s5+s2], $0x40, $0x38;
	[tilespmem:$0x18100] =	vst v63  }
0x15: {  	_ =	swait.ge [sflag:s10], $0x40  }
0x16: {  	[sflag:s10] =	ssyncset.done $0x0  }
0x17: {  	[sflag:s10] =	ssyncadd.s32 $0xFFFFFFC0  }
0x18: {  	v3 =	vld [tilespmem:$0x0];
	_ =	sdelay $0x4  }
0x19: {  	v4 =	vshrl.u32 v3, $0x3  }
0x1a: {  	v4 =	vmul.u32 $0x30, v4  }
0x1b: {  	v3 =	vand.u32 $0x7, v3  }
0x1c: {  	v3 =	vor.u32 v3, v4  }
0x1d: {  	v4 =	vperm.xlane v3, v0;
	_ =	sdelay $0x1  }
0x1e: {  	v4 =	vadd.s32 v1, v4;
	_ =	sdelay $0x3  }
0x1f: {  	v3 =	vperm.xlane v3, v2  }
0x20: {  	[tilespmem:s12], [sflag:$0x1] =	stream.indirect_vreg.gather [hbm4b:s3+s2], $0x80, v4, vm0, $0xb8;
	[tilespmem:$0x18100] =	vst v63  }
0x21: {  	s23 =	simm.s32 $0x900;
	v3 =	vadd.s32 v1, v3  }
0x22: {  	[tilespmem:s23], [sflag:$0x1] =	stream.indirect_vreg.gather [hbm4b:s6+s2], $0x80, v4, vm0, $0xb8;
	[tilespmem:$0x18100] =	vst v63  }
0x23: {  	s24 =	simm.s32 $0x1100  }
0x24: {  	[tilespmem:s24], [sflag:$0x1] =	stream.indirect_vreg.gather [hbm4b:s7+s2], $0x80, v4, vm0, $0xb8;
	[tilespmem:$0x18100] =	vst v63  }
0x25: {  	s25 =	simm.s32 $0x1900  }
0x26: {  	[tilespmem:s25], [sflag:$0x1] =	stream.indirect_vreg.gather [hbm4b:s3+s2], $0x80, v3, vm0, $0xb8;
	[tilespmem:$0x18100] =	vst v63  }
0x27: {  	s22 =	simm.s32 $0x2100  }
0x28: {  	[tilespmem:s22], [sflag:$0x1] =	stream.indirect_vreg.gather [hbm4b:s6+s2], $0x80, v3, vm0, $0xb8;
	[tilespmem:$0x18100] =	vst v63  }
0x29: {  	s23 =	simm.s32 $0x2900  }
0x2a: {  	[tilespmem:s23], [sflag:$0x1] =	stream.indirect_vreg.gather [hbm4b:s7+s2], $0x80, v3, vm0, $0xb8;
	[tilespmem:$0x18100] =	vst v63  }
0x2b: {  	v3 =	vld [tilespmem:$0x10];
	_ =	sdelay $0x4  }
0x2c: {  	v4 =	vshrl.u32 v3, $0x3  }
0x2d: {  	v4 =	vmul.u32 $0x30, v4  }
0x2e: {  	v3 =	vand.u32 $0x7, v3  }
0x2f: {  	v3 =	vor.u32 v3, v4  }
0x30: {  	v4 =	vperm.xlane v3, v0;
	_ =	sdelay $0x1  }
0x31: {  	v4 =	vadd.s32 v1, v4;
	_ =	sdelay $0x3  }
0x32: {  	s24 =	simm.s32 $0x3100;
	v3 =	vperm.xlane v3, v2  }
0x33: {  	[tilespmem:s24], [sflag:$0x1] =	stream.indirect_vreg.gather [hbm4b:s3+s2], $0x80, v4, vm0, $0xb8;
	[tilespmem:$0x18100] =	vst v63  }
0x34: {  	s25 =	simm.s32 $0x3900;
	v3 =	vadd.s32 v1, v3  }
0x35: {  	[tilespmem:s25], [sflag:$0x1] =	stream.indirect_vreg.gather [hbm4b:s6+s2], $0x80, v4, vm0, $0xb8;
	[tilespmem:$0x18100] =	vst v63  }
0x36: {  	s22 =	simm.s32 $0x4100  }
0x37: {  	[tilespmem:s22], [sflag:$0x1] =	stream.indirect_vreg.gather [hbm4b:s7+s2], $0x80, v4, vm0, $0xb8;
	[tilespmem:$0x18100] =	vst v63  }
0x38: {  	s23 =	simm.s32 $0x4900  }
0x39: {  	[tilespmem:s23], [sflag:$0x1] =	stream.indirect_vreg.gather [hbm4b:s3+s2], $0x80, v3, vm0, $0xb8;
	[tilespmem:$0x18100] =	vst v63  }
0x3a: {  	s24 =	simm.s32 $0x5100  }
0x3b: {  	[tilespmem:s24], [sflag:$0x1] =	stream.indirect_vreg.gather [hbm4b:s6+s2], $0x80, v3, vm0, $0xb8;
	[tilespmem:$0x18100] =	vst v63  }
0x3c: {  	s25 =	simm.s32 $0x5900  }
0x3d: {  	[tilespmem:s25], [sflag:$0x1] =	stream.indirect_vreg.gather [hbm4b:s7+s2], $0x80, v3, vm0, $0xb8;
	[tilespmem:$0x18100] =	vst v63  }
0x3e: {  	v3 =	vld [tilespmem:$0x20];
	_ =	sdelay $0x4  }
0x3f: {  	v4 =	vshrl.u32 v3, $0x3  }
0x40: {  	v4 =	vmul.u32 $0x30, v4  }
0x41: {  	v3 =	vand.u32 $0x7, v3  }
0x42: {  	v3 =	vor.u32 v3, v4  }
0x43: {  	v4 =	vperm.xlane v3, v0;
	_ =	sdelay $0x1  }
0x44: {  	v4 =	vadd.s32 v1, v4;
	_ =	sdelay $0x3  }
0x45: {  	s22 =	simm.s32 $0x6100;
	v3 =	vperm.xlane v3, v2  }
0x46: {  	[tilespmem:s22], [sflag:$0x1] =	stream.indirect_vreg.gather [hbm4b:s3+s2], $0x80, v4, vm0, $0xb8;
	[tilespmem:$0x18100] =	vst v63  }
0x47: {  	s23 =	simm.s32 $0x6900;
	v3 =	vadd.s32 v1, v3  }
0x48: {  	[tilespmem:s23], [sflag:$0x1] =	stream.indirect_vreg.gather [hbm4b:s6+s2], $0x80, v4, vm0, $0xb8;
	[tilespmem:$0x18100] =	vst v63  }
0x49: {  	s24 =	simm.s32 $0x7100  }
0x4a: {  	[tilespmem:s24], [sflag:$0x1] =	stream.indirect_vreg.gather [hbm4b:s7+s2], $0x80, v4, vm0, $0xb8;
	[tilespmem:$0x18100] =	vst v63  }
0x4b: {  	s25 =	simm.s32 $0x7900  }
0x4c: {  	[tilespmem:s25], [sflag:$0x1] =	stream.indirect_vreg.gather [hbm4b:s3+s2], $0x80, v3, vm0, $0xb8;
	[tilespmem:$0x18100] =	vst v63  }
0x4d: {  	s22 =	simm.s32 $0x8100  }
0x4e: {  	[tilespmem:s22], [sflag:$0x1] =	stream.indirect_vreg.gather [hbm4b:s6+s2], $0x80, v3, vm0, $0xb8;
	[tilespmem:$0x18100] =	vst v63  }
0x4f: {  	s23 =	simm.s32 $0x8900  }
0x50: {  	[tilespmem:s23], [sflag:$0x1] =	stream.indirect_vreg.gather [hbm4b:s7+s2], $0x80, v3, vm0, $0xb8;
	[tilespmem:$0x18100] =	vst v63  }
0x51: {  	v3 =	vld [tilespmem:$0x30];
	_ =	sdelay $0x4  }
0x52: {  	v4 =	vshrl.u32 v3, $0x3  }
0x53: {  	v4 =	vmul.u32 $0x30, v4  }
0x54: {  	v3 =	vand.u32 $0x7, v3  }
0x55: {  	v3 =	vor.u32 v3, v4  }
0x56: {  	v4 =	vperm.xlane v3, v0;
	_ =	sdelay $0x1  }
0x57: {  	v4 =	vadd.s32 v1, v4;
	_ =	sdelay $0x3  }
0x58: {  	s24 =	simm.s32 $0x9100;
	v3 =	vperm.xlane v3, v2  }
0x59: {  	[tilespmem:s24], [sflag:$0x1] =	stream.indirect_vreg.gather [hbm4b:s3+s2], $0x80, v4, vm0, $0xb8;
	[tilespmem:$0x18100] =	vst v63  }
0x5a: {  	s25 =	simm.s32 $0x9900;
	v3 =	vadd.s32 v1, v3  }
0x5b: {  	[tilespmem:s25], [sflag:$0x1] =	stream.indirect_vreg.gather [hbm4b:s6+s2], $0x80, v4, vm0, $0xb8;
	[tilespmem:$0x18100] =	vst v63  }
0x5c: {  	s22 =	simm.s32 $0xA100  }
0x5d: {  	[tilespmem:s22], [sflag:$0x1] =	stream.indirect_vreg.gather [hbm4b:s7+s2], $0x80, v4, vm0, $0xb8;
	[tilespmem:$0x18100] =	vst v63  }
0x5e: {  	s23 =	simm.s32 $0xA900  }
0x5f: {  	[tilespmem:s23], [sflag:$0x1] =	stream.indirect_vreg.gather [hbm4b:s3+s2], $0x80, v3, vm0, $0xb8;
	[tilespmem:$0x18100] =	vst v63  }
0x60: {  	s24 =	simm.s32 $0xB100  }
0x61: {  	[tilespmem:s24], [sflag:$0x1] =	stream.indirect_vreg.gather [hbm4b:s6+s2], $0x80, v3, vm0, $0xb8;
	[tilespmem:$0x18100] =	vst v63  }
0x62: {  	s25 =	simm.s32 $0xB900  }
0x63: {  	[tilespmem:s25], [sflag:$0x1] =	stream.indirect_vreg.gather [hbm4b:s7+s2], $0x80, v3, vm0, $0xb8;
	[tilespmem:$0x18100] =	vst v63  }
0x64: {  	v3 =	vld [tilespmem:$0x80];
	_ =	sdelay $0x4  }
0x65: {  	v4 =	vshrl.u32 v3, $0x3  }
0x66: {  	v4 =	vmul.u32 $0x30, v4  }
0x67: {  	v3 =	vand.u32 $0x7, v3  }
0x68: {  	v3 =	vor.u32 v3, v4  }
0x69: {  	v4 =	vperm.xlane v3, v0;
	_ =	sdelay $0x1  }
0x6a: {  	v4 =	vadd.s32 v1, v4;
	_ =	sdelay $0x3  }
0x6b: {  	s22 =	simm.s32 $0xC100;
	v3 =	vperm.xlane v3, v2  }
0x6c: {  	[tilespmem:s22], [sflag:$0x2] =	stream.indirect_vreg.gather [hbm4b:s3+s2], $0x80, v4, vm0, $0xb8;
	[tilespmem:$0x18100] =	vst v63  }
0x6d: {  	s23 =	simm.s32 $0xC900;
	v3 =	vadd.s32 v1, v3  }
0x6e: {  	[tilespmem:s23], [sflag:$0x2] =	stream.indirect_vreg.gather [hbm4b:s6+s2], $0x80, v4, vm0, $0xb8;
	[tilespmem:$0x18100] =	vst v63  }
0x6f: {  	s24 =	simm.s32 $0xD100  }
0x70: {  	[tilespmem:s24], [sflag:$0x2] =	stream.indirect_vreg.gather [hbm4b:s7+s2], $0x80, v4, vm0, $0xb8;
	[tilespmem:$0x18100] =	vst v63  }
0x71: {  	s25 =	simm.s32 $0xD900  }
0x72: {  	[tilespmem:s25], [sflag:$0x2] =	stream.indirect_vreg.gather [hbm4b:s3+s2], $0x80, v3, vm0, $0xb8;
	[tilespmem:$0x18100] =	vst v63  }
0x73: {  	s22 =	simm.s32 $0xE100  }
0x74: {  	[tilespmem:s22], [sflag:$0x2] =	stream.indirect_vreg.gather [hbm4b:s6+s2], $0x80, v3, vm0, $0xb8;
	[tilespmem:$0x18100] =	vst v63  }
0x75: {  	s23 =	simm.s32 $0xE900  }
0x76: {  	[tilespmem:s23], [sflag:$0x2] =	stream.indirect_vreg.gather [hbm4b:s7+s2], $0x80, v3, vm0, $0xb8;
	[tilespmem:$0x18100] =	vst v63  }
0x77: {  	v3 =	vld [tilespmem:$0x90];
	_ =	sdelay $0x4  }
0x78: {  	v4 =	vshrl.u32 v3, $0x3  }
0x79: {  	v4 =	vmul.u32 $0x30, v4  }
0x7a: {  	v3 =	vand.u32 $0x7, v3  }
0x7b: {  	v3 =	vor.u32 v3, v4  }
0x7c: {  	v4 =	vperm.xlane v3, v0;
	_ =	sdelay $0x1  }
0x7d: {  	v4 =	vadd.s32 v1, v4;
	_ =	sdelay $0x3  }
0x7e: {  	s24 =	simm.s32 $0xF100;
	v3 =	vperm.xlane v3, v2  }
0x7f: {  	[tilespmem:s24], [sflag:$0x2] =	stream.indirect_vreg.gather [hbm4b:s3+s2], $0x80, v4, vm0, $0xb8;
	[tilespmem:$0x18100] =	vst v63  }
0x80: {  	s25 =	simm.s32 $0xF900;
	v3 =	vadd.s32 v1, v3  }
0x81: {  	[tilespmem:s25], [sflag:$0x2] =	stream.indirect_vreg.gather [hbm4b:s6+s2], $0x80, v4, vm0, $0xb8;
	[tilespmem:$0x18100] =	vst v63  }
0x82: {  	s22 =	simm.s32 $0x10100  }
0x83: {  	[tilespmem:s22], [sflag:$0x2] =	stream.indirect_vreg.gather [hbm4b:s7+s2], $0x80, v4, vm0, $0xb8;
	[tilespmem:$0x18100] =	vst v63  }
0x84: {  	s23 =	simm.s32 $0x10900  }
0x85: {  	[tilespmem:s23], [sflag:$0x2] =	stream.indirect_vreg.gather [hbm4b:s3+s2], $0x80, v3, vm0, $0xb8;
	[tilespmem:$0x18100] =	vst v63  }
0x86: {  	s24 =	simm.s32 $0x11100  }
0x87: {  	[tilespmem:s24], [sflag:$0x2] =	stream.indirect_vreg.gather [hbm4b:s6+s2], $0x80, v3, vm0, $0xb8;
	[tilespmem:$0x18100] =	vst v63  }
0x88: {  	_ = 	snop  }
0x89: {  	[tilespmem:s26], [sflag:$0x2] =	stream.indirect_vreg.gather [hbm4b:s7+s2], $0x80, v3, vm0, $0xb8;
	[tilespmem:$0x18100] =	vst v63  }
0x8a: {  	v3 =	vld [tilespmem:$0xA0];
	_ =	sdelay $0x4  }
0x8b: {  	v4 =	vshrl.u32 v3, $0x3  }
0x8c: {  	v4 =	vmul.u32 $0x30, v4  }
0x8d: {  	v3 =	vand.u32 $0x7, v3  }
0x8e: {  	v3 =	vor.u32 v3, v4  }
0x8f: {  	v4 =	vperm.xlane v3, v0;
	_ =	sdelay $0x1  }
0x90: {  	v4 =	vadd.s32 v1, v4;
	_ =	sdelay $0x3  }
0x91: {  	v3 =	vperm.xlane v3, v2  }
0x92: {  	[tilespmem:s28], [sflag:$0x2] =	stream.indirect_vreg.gather [hbm4b:s3+s2], $0x80, v4, vm0, $0xb8;
	[tilespmem:$0x18100] =	vst v63  }
0x93: {  	v3 =	vadd.s32 v1, v3  }
0x94: {  	[tilespmem:s29], [sflag:$0x2] =	stream.indirect_vreg.gather [hbm4b:s6+s2], $0x80, v4, vm0, $0xb8;
	[tilespmem:$0x18100] =	vst v63  }
0x95: {  	_ = 	snop  }
0x96: {  	[tilespmem:s30], [sflag:$0x2] =	stream.indirect_vreg.gather [hbm4b:s7+s2], $0x80, v4, vm0, $0xb8;
	[tilespmem:$0x18100] =	vst v63  }
0x97: {  	_ = 	snop  }
0x98: {  	[tilespmem:s31], [sflag:$0x2] =	stream.indirect_vreg.gather [hbm4b:s3+s2], $0x80, v3, vm0, $0xb8;
	[tilespmem:$0x18100] =	vst v63  }
0x99: {  	_ = 	snop  }
0x9a: {  	[tilespmem:s0], [sflag:$0x2] =	stream.indirect_vreg.gather [hbm4b:s6+s2], $0x80, v3, vm0, $0xb8;
	[tilespmem:$0x18100] =	vst v63  }
0x9b: {  	_ = 	snop  }
0x9c: {  	[tilespmem:s1], [sflag:$0x2] =	stream.indirect_vreg.gather [hbm4b:s7+s2], $0x80, v3, vm0, $0xb8;
	[tilespmem:$0x18100] =	vst v63  }
0x9d: {  	v3 =	vld [tilespmem:$0xB0];
	_ =	sdelay $0x4  }
0x9e: {  	v4 =	vshrl.u32 v3, $0x3  }
0x9f: {  	v4 =	vmul.u32 $0x30, v4  }
0xa0: {  	v3 =	vand.u32 $0x7, v3  }
0xa1: {  	v3 =	vor.u32 v3, v4  }
0xa2: {  	v4 =	vperm.xlane v3, v0;
	_ =	sdelay $0x1  }
0xa3: {  	v4 =	vadd.s32 v1, v4;
	_ =	sdelay $0x3  }
0xa4: {  	v3 =	vperm.xlane v3, v2  }
0xa5: {  	[tilespmem:s11], [sflag:$0x2] =	stream.indirect_vreg.gather [hbm4b:s3+s2], $0x80, v4, vm0, $0xb8;
	[tilespmem:$0x18100] =	vst v63  }
0xa6: {  	v3 =	vadd.s32 v1, v3  }
0xa7: {  	[tilespmem:s13], [sflag:$0x2] =	stream.indirect_vreg.gather [hbm4b:s6+s2], $0x80, v4, vm0, $0xb8;
	[tilespmem:$0x18100] =	vst v63  }
0xa8: {  	_ = 	snop  }
0xa9: {  	[tilespmem:s14], [sflag:$0x2] =	stream.indirect_vreg.gather [hbm4b:s7+s2], $0x80, v4, vm0, $0xb8;
	[tilespmem:$0x18100] =	vst v63  }
0xaa: {  	_ = 	snop  }
0xab: {  	[tilespmem:s15], [sflag:$0x2] =	stream.indirect_vreg.gather [hbm4b:s3+s2], $0x80, v3, vm0, $0xb8;
	[tilespmem:$0x18100] =	vst v63  }
0xac: {  	_ = 	snop  }
0xad: {  	[tilespmem:s16], [sflag:$0x2] =	stream.indirect_vreg.gather [hbm4b:s6+s2], $0x80, v3, vm0, $0xb8;
	[tilespmem:$0x18100] =	vst v63  }
0xae: {  	_ = 	snop  }
0xaf: {  	[tilespmem:s17], [sflag:$0x2] =	stream.indirect_vreg.gather [hbm4b:s7+s2], $0x80, v3, vm0, $0xb8;
	[tilespmem:$0x18100] =	vst v63  }
0xb0: {  	_ =	swait.ge [sflag:s18], $0xC000  }
0xb1: {  	[sflag:s18] =	ssyncset.done $0x0  }
0xb2: {  	s25 =	simm.s32 $0x0;
	[sflag:s18] =	ssyncadd.s32 $0xFFFF4000  }
0xb3: {  	s21 =	smul.u32 $0x1800, s25;
	_ =	swait.ge [sflag:s19], $0xC000  }
0xb4: {  	s22 =	sand.u32 $0x380, s2;
	[sflag:s19] =	ssyncset.done $0x0  }
0xb5: {  	s21 =	sor.u32 s22, s21;
	[sflag:s19] =	ssyncadd.s32 $0xFFFF4000  }
0xb6: {  	v12 =	vld [tilespmem:s21+$0xC100]  }
0xb7: {  	v13 =	vld [tilespmem:s21+$0xC110]  }
0xb8: {  	v14 =	vld [tilespmem:s21+$0xC120]  }
0xb9: {  	v15 =	vld [tilespmem:s21+$0xC130]  }
0xba: {  	v16 =	vld [tilespmem:s21+$0xC140]  }
0xbb: {  	v17 =	vld [tilespmem:s21+$0xC150]  }
0xbc: {  	v18 =	vld [tilespmem:s21+$0xC160]  }
0xbd: {  	v19 =	vld [tilespmem:s21+$0xC170]  }
0xbe: {  	v20 =	vld [tilespmem:s21+$0xC500]  }
0xbf: {  	v21 =	vld [tilespmem:s21+$0xC510]  }
0xc0: {  	v22 =	vld [tilespmem:s21+$0xC520]  }
0xc1: {  	v23 =	vld [tilespmem:s21+$0xC530]  }
0xc2: {  	v24 =	vld [tilespmem:s21+$0xC540]  }
0xc3: {  	v25 =	vld [tilespmem:s21+$0xC550]  }
0xc4: {  	v26 =	vld [tilespmem:s21+$0xC560]  }
0xc5: {  	v27 =	vld [tilespmem:s21+$0xC570]  }
0xc6: {  	v28 =	vld [tilespmem:s21+$0xC900]  }
0xc7: {  	v29 =	vld [tilespmem:s21+$0xC910]  }
0xc8: {  	v30 =	vld [tilespmem:s21+$0xC920]  }
0xc9: {  	v31 =	vld [tilespmem:s21+$0xC930]  }
0xca: {  	v32 =	vld [tilespmem:s21+$0xC940]  }
0xcb: {  	v33 =	vld [tilespmem:s21+$0xC950]  }
0xcc: {  	v34 =	vld [tilespmem:s21+$0xC960]  }
0xcd: {  	v35 =	vld [tilespmem:s21+$0xC970]  }
0xce: {  	v36 =	vld [tilespmem:s21+$0xCD00]  }
0xcf: {  	v37 =	vld [tilespmem:s21+$0xCD10]  }
0xd0: {  	v38 =	vld [tilespmem:s21+$0xCD20]  }
0xd1: {  	v39 =	vld [tilespmem:s21+$0xCD30]  }
0xd2: {  	v40 =	vld [tilespmem:s21+$0xCD40]  }
0xd3: {  	v41 =	vld [tilespmem:s21+$0xCD50]  }
0xd4: {  	v42 =	vld [tilespmem:s21+$0xCD60]  }
0xd5: {  	v43 =	vld [tilespmem:s21+$0xCD70]  }
0xd6: {  	v44 =	vld [tilespmem:s21+$0xD100]  }
0xd7: {  	v45 =	vld [tilespmem:s21+$0xD110]  }
0xd8: {  	v46 =	vld [tilespmem:s21+$0xD120]  }
0xd9: {  	v47 =	vld [tilespmem:s21+$0xD130]  }
0xda: {  	v48 =	vld [tilespmem:s21+$0xD140]  }
0xdb: {  	v49 =	vld [tilespmem:s21+$0xD150]  }
0xdc: {  	v50 =	vld [tilespmem:s21+$0xD160]  }
0xdd: {  	v11 =	vld [tilespmem:s21+$0xD170]  }
0xde: {  	v10 =	vld [tilespmem:s21+$0xD500]  }
0xdf: {  	v9 =	vld [tilespmem:s21+$0xD510]  }
0xe0: {  	v8 =	vld [tilespmem:s21+$0xD520]  }
0xe1: {  	v7 =	vld [tilespmem:s21+$0xD530]  }
0xe2: {  	v6 =	vld [tilespmem:s21+$0xD540]  }
0xe3: {  	v51 =	vld [tilespmem:s21+$0x100]  }
0xe4: {  	v52 =	vld [tilespmem:s21+$0x110]  }
0xe5: {  	v53 =	vld [tilespmem:s21+$0x120]  }
0xe6: {  	v54 =	vld [tilespmem:s21+$0x130]  }
0xe7: {  	v55 =	vld [tilespmem:s21+$0x140]  }
0xe8: {  	v62 =	vld [tilespmem:s21+$0x150];
	v12 =	vadd.f32 v12, v51  }
0xe9: {  	v63 =	vld [tilespmem:s21+$0x160];
	v13 =	vadd.f32 v13, v52  }
0xea: {  	[tilespmem:s21+$0x100] =	vst v12;
	v12 =	vadd.f32 v14, v53;
	v14 =	vld [tilespmem:s21+$0x170]  }
0xeb: {  	[tilespmem:s21+$0x110] =	vst v13;
	v13 =	vadd.f32 v15, v54;
	v15 =	vld [tilespmem:s21+$0x500]  }
0xec: {  	[tilespmem:s21+$0x120] =	vst v12;
	v12 =	vadd.f32 v16, v55;
	v16 =	vld [tilespmem:s21+$0x510]  }
0xed: {  	[tilespmem:s21+$0x130] =	vst v13;
	v13 =	vadd.f32 v17, v62;
	v17 =	vld [tilespmem:s21+$0x520]  }
0xee: {  	v5 =	vld [tilespmem:s21+$0xD550]  }
0xef: {  	[tilespmem:s21+$0x140] =	vst v12;
	v12 =	vadd.f32 v18, v63;
	v18 =	vld [tilespmem:s21+$0x570]  }
0xf0: {  	[tilespmem:s21+$0x150] =	vst v13;
	v13 =	vadd.f32 v19, v14;
	v14 =	vld [tilespmem:s21+$0x530]  }
0xf1: {  	[tilespmem:s21+$0x160] =	vst v12;
	v12 =	vadd.f32 v20, v15;
	v15 =	vld [tilespmem:s21+$0x540]  }
0xf2: {  	[tilespmem:s21+$0x170] =	vst v13;
	v13 =	vadd.f32 v21, v16;
	v16 =	vadd.f32 v22, v17;
	v17 =	vld [tilespmem:s21+$0x560]  }
0xf3: {  	[tilespmem:s21+$0x500] =	vst v12;
	v12 =	vld [tilespmem:s21+$0x550]  }
0xf4: {  	[tilespmem:s21+$0x510] =	vst v13;
	v13 =	vld [tilespmem:s21+$0x900];
	v18 =	vadd.f32 v27, v18  }
0xf5: {  	[tilespmem:s21+$0x520] =	vst v16;
	v16 =	vld [tilespmem:s21+$0x910];
	v14 =	vadd.f32 v23, v14  }
0xf6: {  	v4 =	vld [tilespmem:s21+$0xD560];
	v15 =	vadd.f32 v24, v15;
	[tilespmem:s21+$0x570] =	vst v18  }
0xf7: {  	[tilespmem:s21+$0x530] =	vst v14;
	v14 =	vld [tilespmem:s21+$0x920];
	v17 =	vadd.f32 v26, v17  }
0xf8: {  	v12 =	vadd.f32 v25, v12;
	[tilespmem:s21+$0x540] =	vst v15;
	v15 =	vld [tilespmem:s21+$0x930]  }
0xf9: {  	v18 =	vld [tilespmem:s21+$0x970];
	[tilespmem:s21+$0x560] =	vst v17;
	v13 =	vadd.f32 v28, v13  }
0xfa: {  	v16 =	vadd.f32 v29, v16;
	[tilespmem:s21+$0x550] =	vst v12;
	v12 =	vld [tilespmem:s21+$0x940]  }
0xfb: {  	v17 =	vld [tilespmem:s21+$0x950];
	[tilespmem:s21+$0x900] =	vst v13  }
0xfc: {  	[tilespmem:s21+$0x910] =	vst v16;
	v16 =	vld [tilespmem:s21+$0x960];
	v13 =	vadd.f32 v30, v14  }
0xfd: {  	v14 =	vld [tilespmem:s21+$0xD00];
	v15 =	vadd.f32 v31, v15  }
0xfe: {  	[tilespmem:s21+$0x920] =	vst v13;
	v13 =	vld [tilespmem:s21+$0xD10]  }
0xff: {  	v12 =	vadd.f32 v32, v12;
	[tilespmem:s21+$0x930] =	vst v15;
	v15 =	vld [tilespmem:s21+$0xD20]  }
0x100: {  	v3 =	vld [tilespmem:s21+$0xD570];
	v17 =	vadd.f32 v33, v17  }
0x101: {  	v16 =	vadd.f32 v34, v16;
	[tilespmem:s21+$0x940] =	vst v12;
	v12 =	vld [tilespmem:s21+$0xD30]  }
0x102: {  	[tilespmem:s21+$0x950] =	vst v17;
	v17 =	vld [tilespmem:s21+$0xD40];
	v14 =	vadd.f32 v36, v14  }
0x103: {  	v18 =	vadd.f32 v35, v18;
	[tilespmem:s21+$0x960] =	vst v16;
	v16 =	vld [tilespmem:s21+$0xD50]  }
0x104: {  	v13 =	vadd.f32 v37, v13;
	[tilespmem:s21+$0xD00] =	vst v14;
	v14 =	vadd.f32 v38, v15;
	v15 =	vld [tilespmem:s21+$0xD60]  }
0x105: {  	[tilespmem:s21+$0x970] =	vst v18;
	v18 =	vld [tilespmem:s21+$0xD70]  }
0x106: {  	[tilespmem:s21+$0xD10] =	vst v13;
	v13 =	vld [tilespmem:s21+$0x1100];
	v12 =	vadd.f32 v39, v12  }
0x107: {  	v17 =	vadd.f32 v40, v17;
	[tilespmem:s21+$0xD20] =	vst v14;
	v14 =	vld [tilespmem:s21+$0x1110]  }
0x108: {  	v16 =	vadd.f32 v41, v16;
	[tilespmem:s21+$0xD30] =	vst v12;
	v12 =	vld [tilespmem:s21+$0x1120]  }
0x109: {  	[tilespmem:s21+$0xD40] =	vst v17;
	v17 =	vld [tilespmem:s21+$0x1130];
	v15 =	vadd.f32 v42, v15  }
0x10a: {  	v19 =	vld [tilespmem:s21+$0x1140];
	[tilespmem:s21+$0xD50] =	vst v16;
	v16 =	vadd.f32 v43, v18  }
0x10b: {  	v18 =	vld [tilespmem:s21+$0x1150];
	v13 =	vadd.f32 v44, v13;
	[tilespmem:s21+$0xD60] =	vst v15  }
0x10c: {  	v20 =	vld [tilespmem:s21+$0x1160];
	[tilespmem:s21+$0xD70] =	vst v16;
	v14 =	vadd.f32 v45, v14  }
0x10d: {  	v16 =	vld [tilespmem:s21+$0x1170];
	[tilespmem:s21+$0x1100] =	vst v13;
	v12 =	vadd.f32 v46, v12  }
0x10e: {  	v15 =	vld [tilespmem:s21+$0x1500];
	v13 =	vadd.f32 v47, v17;
	[tilespmem:s21+$0x1110] =	vst v14  }
0x10f: {  	v14 =	vld [tilespmem:s21+$0x1510];
	[tilespmem:s21+$0x1120] =	vst v12;
	v12 =	vadd.f32 v48, v19  }
0x110: {  	[tilespmem:s21+$0x1130] =	vst v13;
	v13 =	vld [tilespmem:s21+$0x1520];
	v18 =	vadd.f32 v49, v18  }
0x111: {  	s22 =	simm.s32 $0x1;
	s23 =	simm.s32 $0x0;
	v17 =	vadd.f32 v50, v20;
	[tilespmem:s21+$0x1140] =	vst v12;
	v12 =	vld [tilespmem:s21+$0x1530]  }
.LBB2_2:
0x112: {  	s24 =	sshrl.u32 s22, $0x3;
	p0 =	sne.s32 s22, $0x3F;
	[tilespmem:s21+$0x1150] =	vst v18;
	v11 =	vadd.f32 v11, v16;
	v16 =	vld [tilespmem:s21+$0x1540]  }
0x113: {  	s23 =	sadd.s32 $0x80, s23;
	s24 =	smul.u32 $0x1800, s24;
	[tilespmem:s21+$0x1160] =	vst v17;
	v10 =	vadd.f32 v10, v15;
	v15 =	vld [tilespmem:s21+$0x1550]  }
0x114: {  	s25 =	sand.u32 $0x380, s23;
	[tilespmem:s21+$0x1170] =	vst v11;
	v9 =	vadd.f32 v9, v14;
	v11 =	vld [tilespmem:s21+$0x1560]  }
0x115: {  	s24 =	sor.u32 s25, s24;
	[tilespmem:s21+$0x1500] =	vst v10;
	v8 =	vadd.f32 v8, v13;
	v10 =	vld [tilespmem:s21+$0x1570]  }
0x116: {  	v39 =	vld [tilespmem:s24+$0xC100];
	[tilespmem:s21+$0x1510] =	vst v9;
	v7 =	vadd.f32 v7, v12  }
0x117: {  	v40 =	vld [tilespmem:s24+$0xC110];
	[tilespmem:s21+$0x1520] =	vst v8;
	v6 =	vadd.f32 v6, v16  }
0x118: {  	v41 =	vld [tilespmem:s24+$0xC120];
	[tilespmem:s21+$0x1530] =	vst v7;
	v5 =	vadd.f32 v5, v15  }
0x119: {  	v42 =	vld [tilespmem:s24+$0xC130];
	[tilespmem:s21+$0x1540] =	vst v6;
	v4 =	vadd.f32 v4, v11  }
0x11a: {  	v43 =	vld [tilespmem:s24+$0xC140];
	[tilespmem:s21+$0x1550] =	vst v5;
	v3 =	vadd.f32 v3, v10  }
0x11b: {  	v44 =	vld [tilespmem:s24+$0xC150];
	[tilespmem:s21+$0x1560] =	vst v4  }
0x11c: {  	v45 =	vld [tilespmem:s24+$0xC160];
	[tilespmem:s21+$0x1570] =	vst v3;
	s21 =	smov.u32 s24  }
0x11d: {  	v46 =	vld [tilespmem:s21+$0xC170]  }
0x11e: {  	v47 =	vld [tilespmem:s21+$0xC500]  }
0x11f: {  	v48 =	vld [tilespmem:s21+$0xC510]  }
0x120: {  	v49 =	vld [tilespmem:s21+$0xC520]  }
0x121: {  	v50 =	vld [tilespmem:s21+$0xC530]  }
0x122: {  	v38 =	vld [tilespmem:s21+$0xC540]  }
0x123: {  	v37 =	vld [tilespmem:s21+$0xC550]  }
0x124: {  	v36 =	vld [tilespmem:s21+$0xC560]  }
0x125: {  	v35 =	vld [tilespmem:s21+$0xC570]  }
0x126: {  	v34 =	vld [tilespmem:s21+$0xC900]  }
0x127: {  	v33 =	vld [tilespmem:s21+$0xC910]  }
0x128: {  	v32 =	vld [tilespmem:s21+$0xC920]  }
0x129: {  	v31 =	vld [tilespmem:s21+$0xC930]  }
0x12a: {  	v30 =	vld [tilespmem:s21+$0xC940]  }
0x12b: {  	v29 =	vld [tilespmem:s21+$0xC950]  }
0x12c: {  	v28 =	vld [tilespmem:s21+$0xC960]  }
0x12d: {  	v27 =	vld [tilespmem:s21+$0xC970]  }
0x12e: {  	v26 =	vld [tilespmem:s21+$0xCD00]  }
0x12f: {  	v25 =	vld [tilespmem:s21+$0xCD10]  }
0x130: {  	v24 =	vld [tilespmem:s21+$0xCD20]  }
0x131: {  	v23 =	vld [tilespmem:s21+$0xCD30]  }
0x132: {  	v22 =	vld [tilespmem:s21+$0xCD40]  }
0x133: {  	v21 =	vld [tilespmem:s21+$0xCD50]  }
0x134: {  	v20 =	vld [tilespmem:s21+$0xCD60]  }
0x135: {  	v19 =	vld [tilespmem:s21+$0xCD70]  }
0x136: {  	v18 =	vld [tilespmem:s21+$0xD100]  }
0x137: {  	v17 =	vld [tilespmem:s21+$0xD110]  }
0x138: {  	v16 =	vld [tilespmem:s21+$0xD120]  }
0x139: {  	v15 =	vld [tilespmem:s21+$0xD130]  }
0x13a: {  	v14 =	vld [tilespmem:s21+$0xD140]  }
0x13b: {  	v13 =	vld [tilespmem:s21+$0xD150]  }
0x13c: {  	v12 =	vld [tilespmem:s21+$0xD160]  }
0x13d: {  	v11 =	vld [tilespmem:s21+$0xD170]  }
0x13e: {  	v10 =	vld [tilespmem:s21+$0xD500]  }
0x13f: {  	v9 =	vld [tilespmem:s21+$0xD510]  }
0x140: {  	v8 =	vld [tilespmem:s21+$0xD520]  }
0x141: {  	v7 =	vld [tilespmem:s21+$0xD530]  }
0x142: {  	v6 =	vld [tilespmem:s21+$0xD540]  }
0x143: {  	v5 =	vld [tilespmem:s21+$0xD550]  }
0x144: {  	v4 =	vld [tilespmem:s21+$0xD560]  }
0x145: {  	v3 =	vld [tilespmem:s21+$0xD570]  }
0x146: {  	v51 =	vld [tilespmem:s21+$0x100]  }
0x147: {  	v52 =	vld [tilespmem:s21+$0x110]  }
0x148: {  	v53 =	vld [tilespmem:s21+$0x120]  }
0x149: {  	v54 =	vld [tilespmem:s21+$0x130]  }
0x14a: {  	v55 =	vld [tilespmem:s21+$0x140]  }
0x14b: {  	v39 =	vadd.f32 v39, v51;
	v51 =	vld [tilespmem:s21+$0x150]  }
0x14c: {  	v40 =	vadd.f32 v40, v52;
	v52 =	vld [tilespmem:s21+$0x160]  }
0x14d: {  	[tilespmem:s21+$0x100] =	vst v39;
	v39 =	vadd.f32 v41, v53;
	v41 =	vld [tilespmem:s21+$0x170]  }
0x14e: {  	[tilespmem:s21+$0x110] =	vst v40;
	v40 =	vadd.f32 v42, v54;
	v42 =	vld [tilespmem:s21+$0x500]  }
0x14f: {  	[tilespmem:s21+$0x120] =	vst v39;
	v39 =	vadd.f32 v43, v55;
	v43 =	vld [tilespmem:s21+$0x510]  }
0x150: {  	[tilespmem:s21+$0x130] =	vst v40;
	v40 =	vadd.f32 v44, v51;
	v44 =	vld [tilespmem:s21+$0x520]  }
0x151: {  	[tilespmem:s21+$0x140] =	vst v39;
	v39 =	vadd.f32 v45, v52;
	v45 =	vld [tilespmem:s21+$0x530]  }
0x152: {  	[tilespmem:s21+$0x150] =	vst v40;
	v40 =	vadd.f32 v46, v41;
	v41 =	vld [tilespmem:s21+$0x540]  }
0x153: {  	[tilespmem:s21+$0x160] =	vst v39;
	v39 =	vadd.f32 v47, v42;
	v42 =	vld [tilespmem:s21+$0x550]  }
0x154: {  	[tilespmem:s21+$0x170] =	vst v40;
	v40 =	vadd.f32 v48, v43;
	v43 =	vld [tilespmem:s21+$0x560]  }
0x155: {  	[tilespmem:s21+$0x500] =	vst v39;
	v39 =	vadd.f32 v49, v44;
	v44 =	vld [tilespmem:s21+$0x570]  }
0x156: {  	[tilespmem:s21+$0x510] =	vst v40;
	v40 =	vadd.f32 v50, v45;
	v45 =	vld [tilespmem:s21+$0x900]  }
0x157: {  	[tilespmem:s21+$0x520] =	vst v39;
	v38 =	vadd.f32 v38, v41;
	v39 =	vld [tilespmem:s21+$0x910]  }
0x158: {  	[tilespmem:s21+$0x530] =	vst v40;
	v37 =	vadd.f32 v37, v42;
	v40 =	vld [tilespmem:s21+$0x920]  }
0x159: {  	[tilespmem:s21+$0x540] =	vst v38;
	v36 =	vadd.f32 v36, v43;
	v38 =	vld [tilespmem:s21+$0x930]  }
0x15a: {  	[tilespmem:s21+$0x550] =	vst v37;
	v35 =	vadd.f32 v35, v44;
	v37 =	vld [tilespmem:s21+$0x940]  }
0x15b: {  	[tilespmem:s21+$0x560] =	vst v36;
	v34 =	vadd.f32 v34, v45;
	v36 =	vld [tilespmem:s21+$0x950]  }
0x15c: {  	[tilespmem:s21+$0x570] =	vst v35;
	v33 =	vadd.f32 v33, v39;
	v35 =	vld [tilespmem:s21+$0x960]  }
0x15d: {  	[tilespmem:s21+$0x900] =	vst v34;
	v32 =	vadd.f32 v32, v40;
	v34 =	vld [tilespmem:s21+$0x970]  }
0x15e: {  	[tilespmem:s21+$0x910] =	vst v33;
	v31 =	vadd.f32 v31, v38;
	v33 =	vld [tilespmem:s21+$0xD00]  }
0x15f: {  	[tilespmem:s21+$0x920] =	vst v32;
	v30 =	vadd.f32 v30, v37;
	v32 =	vld [tilespmem:s21+$0xD10]  }
0x160: {  	[tilespmem:s21+$0x930] =	vst v31;
	v29 =	vadd.f32 v29, v36;
	v31 =	vld [tilespmem:s21+$0xD20]  }
0x161: {  	[tilespmem:s21+$0x940] =	vst v30;
	v28 =	vadd.f32 v28, v35;
	v30 =	vld [tilespmem:s21+$0xD30]  }
0x162: {  	[tilespmem:s21+$0x950] =	vst v29;
	v27 =	vadd.f32 v27, v34;
	v29 =	vld [tilespmem:s21+$0xD40]  }
0x163: {  	[tilespmem:s21+$0x960] =	vst v28;
	v26 =	vadd.f32 v26, v33;
	v28 =	vld [tilespmem:s21+$0xD50]  }
0x164: {  	[tilespmem:s21+$0x970] =	vst v27;
	v25 =	vadd.f32 v25, v32;
	v27 =	vld [tilespmem:s21+$0xD60]  }
0x165: {  	[tilespmem:s21+$0xD00] =	vst v26;
	v24 =	vadd.f32 v24, v31;
	v26 =	vld [tilespmem:s21+$0xD70]  }
0x166: {  	[tilespmem:s21+$0xD10] =	vst v25;
	v23 =	vadd.f32 v23, v30;
	v25 =	vld [tilespmem:s21+$0x1100]  }
0x167: {  	[tilespmem:s21+$0xD20] =	vst v24;
	v22 =	vadd.f32 v22, v29;
	v24 =	vld [tilespmem:s21+$0x1110]  }
0x168: {  	[tilespmem:s21+$0xD30] =	vst v23;
	v21 =	vadd.f32 v21, v28;
	v23 =	vld [tilespmem:s21+$0x1120]  }
0x169: {  	[tilespmem:s21+$0xD40] =	vst v22;
	v20 =	vadd.f32 v20, v27;
	v22 =	vld [tilespmem:s21+$0x1130]  }
0x16a: {  	[tilespmem:s21+$0xD50] =	vst v21;
	v19 =	vadd.f32 v19, v26;
	v21 =	vld [tilespmem:s21+$0x1140]  }
0x16b: {  	[tilespmem:s21+$0xD60] =	vst v20;
	v18 =	vadd.f32 v18, v25;
	v20 =	vld [tilespmem:s21+$0x1150]  }
0x16c: {  	[tilespmem:s21+$0xD70] =	vst v19;
	v17 =	vadd.f32 v17, v24;
	v19 =	vld [tilespmem:s21+$0x1160]  }
.Ltmp0:
0x16d: {  	[tilespmem:s21+$0x1100] =	vst v18;
	v18 =	vadd.f32 v16, v23;
	v16 =	vld [tilespmem:s21+$0x1170];
	(pc) =	sbr.rel @p0 .LBB2_2-.Ltmp0, $4  }
0x16e: {  	[tilespmem:s21+$0x1110] =	vst v17;
	v17 =	vadd.f32 v15, v22;
	v15 =	vld [tilespmem:s21+$0x1500]  }
0x16f: {  	[tilespmem:s21+$0x1120] =	vst v18;
	v21 =	vadd.f32 v14, v21;
	v14 =	vld [tilespmem:s21+$0x1510]  }
0x170: {  	[tilespmem:s21+$0x1130] =	vst v17;
	v18 =	vadd.f32 v13, v20;
	v13 =	vld [tilespmem:s21+$0x1520]  }
0x171: {  	s22 =	sadd.s32 $0x1, s22;
	[tilespmem:s21+$0x1140] =	vst v21;
	v17 =	vadd.f32 v12, v19;
	v12 =	vld [tilespmem:s21+$0x1530]  }
0x172: {  	[tilespmem:s21+$0x1150] =	vst v18;
	v60 =	vld [tilespmem:s21+$0x1540];
	v11 =	vadd.f32 v11, v16  }
0x173: {  	v61 =	vld [tilespmem:s21+$0x1550];
	[tilespmem:s21+$0x1160] =	vst v17;
	v10 =	vadd.f32 v10, v15  }
0x174: {  	v62 =	vld [tilespmem:s21+$0x1560];
	[tilespmem:s21+$0x1170] =	vst v11;
	v9 =	vadd.f32 v9, v14  }
0x175: {  	v63 =	vld [tilespmem:s21+$0x1570];
	[tilespmem:s21+$0x1500] =	vst v10;
	v8 =	vadd.f32 v8, v13  }
0x176: {  	[tilespmem:s21+$0x1510] =	vst v9;
	v7 =	vadd.f32 v7, v12  }
0x177: {  	[tilespmem:s21+$0x1520] =	vst v8;
	v6 =	vadd.f32 v6, v60  }
0x178: {  	v5 =	vadd.f32 v5, v61;
	[tilespmem:s21+$0x1530] =	vst v7  }
0x179: {  	v4 =	vadd.f32 v4, v62;
	[tilespmem:s21+$0x1540] =	vst v6  }
0x17a: {  	s20 =	sadd.s32 $0x1, s20;
	v3 =	vadd.f32 v3, v63;
	[tilespmem:s21+$0x1550] =	vst v5  }
0x17b: {  	p0 =	sne.s32 s20, s9;
	[tilespmem:s21+$0x1560] =	vst v4  }
.Ltmp1:
0x17c: {  	[tilespmem:s21+$0x1570] =	vst v3;
	(pc) =	sbr.rel @p0 .LBB2_1-.Ltmp1, $4  }
0x17d: {  	[hbm4b:s8+s2] =	stream.linear.scatter [tilespmem:s12], [sflag:$0x3], $0xC000, $0x38;
	[tilespmem:$0x18100] =	vst v63  }
0x17e: {  	_ =	swait.ge [sflag:s10], $0xC000  }
0x17f: {  	[sflag:s10] =	ssyncset.done $0x0  }
0x180: {  	[sflag:s10] =	ssyncadd.s32 $0xFFFF4000  }
0x181: {  	_ =	sfence.sel $0x180000  }
0x182: {  	[bflag:$0x0] =	sbarrier.arrive $0xFFFF  }
0x183: {  	_ =	strace $0x9000004A  }
0x184: {  	s0 =	stileid.u32;
	[bflag:$0x2] =	sbarrier.arrive $0xFFFF  }
0x185: {  	p0 =	sne.s32 s0, $0x0;
	s0 =	rddreg [dreg:$0x2]  }
0x186: {  	s0 =	sadd.s32 @!p0 $0x100000, s0  }
0x187: {  	[sflag:s0] =	ssyncadd.tile.s32 @!p0 $0x1;
	_ =	shalt  }
.Lfunc_end2:
_tile_overlayer_lowered:
.L_overlay_start_2:
0x188: {  	(tag) =	ssettag $0x2  }
0x189: {  	s0 =	rddreg [dreg:$0x0];
	s2 =	stileid.u32  }
0x18a: {  	s1 =	rddreg [dreg:$0x1];
	p0 =	sne.s32 s2, $0x0  }
0x18b: {  	s3 =	rddreg [dreg:$0x2];
	[bflag:$0x3] =	sbarrier.arrive $0xFFFF;
	s2 =	simm.s32 @!p0 $0x1C03  }
0x18c: {  	[timem:s3], [sflag:s2] =	dma.local @!p0 [hbm:s0], s1  }
0x18d: {  	s0 =	simm.s32 @!p0 $0x3  }
0x18e: {  	_ =	swait.ge @!p0 [sflag:s0], s1  }
0x18f: {  	s1 =	ssub.s32 @!p0 $0x0, s1;
	[sflag:s0] =	ssyncset.done @!p0 $0x0  }
0x190: {  	[sflag:s0] =	ssyncadd.s32 @!p0 s1  }
0x191: {  	[bflag:$0x3] =	sbarrier.arrive $0xFFFF  }
0x192: {  	_ =	shalt  }

</sc_bundles>
